<compile_context>
chip_gen: v7x
topology: tpu7x:2x2x1
jax: 0.10.2.dev20260603
libtpu: 0.0.44.dev20260713+nightly
codegen_flags: <defaults>
</compile_context>

<pallas_src>
import functools

import jax
import jax.numpy as jnp
from jax import lax
from jax.experimental import pallas as pl
from jax.experimental.pallas import tpu as pltpu
from jax.experimental.pallas import tpu_sc as plsc

_LANES = 16
_TILES = 16
_BN = 400



def _zero_rows(ref, nrows, ncols):
    zv = jnp.zeros((_LANES,), jnp.float32)

    def body(i, _):
        for t in range(ncols // _LANES):
            ref[i, pl.ds(t * _LANES, _LANES)] = zv
        return 0

    lax.fori_loop(0, nrows, body, 0)


def _node_partition(n):
    npt = (n // _TILES) & ~7
    tail = n - npt * _TILES
    return npt, tail


def _sliced_copy(src_fn, dst_fn, total, chunk):
    for b in range(total // chunk):
        pltpu.sync_copy(src_fn(b * chunk, chunk), dst_fn(b * chunk, chunk))
    rem = total % chunk
    if rem:
        off = (total // chunk) * chunk
        pltpu.sync_copy(src_fn(off, rem), dst_fn(off, rem))


def _fill_rows(ref, nrows, ncols, value):
    fv = jnp.full((_LANES,), value, jnp.float32)

    def body(i, _):
        for t in range(ncols // _LANES):
            ref[i, pl.ds(t * _LANES, _LANES)] = fv
        return 0

    lax.fori_loop(0, nrows, body, 0)


@functools.partial(jax.jit, static_argnames=("n", "e"))
def _sc_deg(dst, *, n, e):
    k = 80
    assert e % (2 * _TILES * k) == 0
    ept = e // (2 * _TILES)
    nblk = ept // k
    npt, tail = _node_partition(n)
    mesh = plsc.VectorSubcoreMesh(core_axis_name="c", subcore_axis_name="s",
                                  num_cores=2, num_subcores=_TILES)

    @functools.partial(
        pl.kernel,
        out_type=jax.ShapeDtypeStruct((2 * n, 128), jnp.float32),
        mesh=mesh,
        scratch_types=[
            pltpu.VMEM((k, 128), jnp.float32),
            pltpu.VMEM((k, 128), jnp.float32),
            pltpu.VMEM((8 * k,), jnp.int32),
            pltpu.VMEM_SHARED((n, 128), jnp.float32),
            pltpu.SemaphoreType.DMA((8,)),
            pltpu.SemaphoreType.DMA((4,)),
        ],
    )
    def deg_kernel(dst_hbm, out_hbm, ones, zrows, didx, acc, isem, ssem):
        c = lax.axis_index("c")
        s = lax.axis_index("s")
        _fill_rows(ones, k, 128, 1.0)
        _zero_rows(zrows, k, 128)
        tbase = c * (e // 2) + s * ept

        base = s * npt
        _sliced_copy(lambda o, sz: zrows.at[pl.ds(0, sz)],
                     lambda o, sz: acc.at[pl.ds(base + o, sz)], npt, k)

        @pl.when(s == _TILES - 1)
        def _():
            if tail:
                pltpu.sync_copy(zrows.at[pl.ds(0, tail)],
                                acc.at[pl.ds(npt * _TILES, tail)])

        plsc.subcore_barrier()

        def didx_at(slot):
            return didx.at[pl.ds(slot * k, k)]

        def fire_idx(b):
            pltpu.async_copy(dst_hbm.at[pl.ds(tbase + b * k, k)],
                             didx_at(lax.rem(b, 8)), isem.at[lax.rem(b, 8)])

        def wait_idx(b):
            pltpu.make_async_copy(dst_hbm.at[pl.ds(tbase, k)],
                                  didx_at(lax.rem(b, 8)),
                                  isem.at[lax.rem(b, 8)]).wait()

        def wait_scat(b):
            pltpu.make_async_copy(ones, acc.at[didx_at(lax.rem(b, 8))],
                                  ssem.at[lax.rem(b, 4)]).wait()

        fire_idx(jnp.int32(0))
        fire_idx(jnp.int32(1))
        fire_idx(jnp.int32(2))

        def eblk(b, _):
            wait_idx(b)

            @pl.when(b >= 4)
            def _():
                wait_scat(b - 4)

            pltpu.async_copy(ones, acc.at[didx_at(lax.rem(b, 8))],
                             ssem.at[lax.rem(b, 4)], add=True)

            @pl.when(b + 3 < nblk)
            def _():
                fire_idx(b + 3)

            return 0

        lax.fori_loop(0, nblk, eblk, 0)
        for t in range(4):
            wait_scat(jnp.int32(nblk - 4 + t))
        plsc.subcore_barrier()
        pltpu.sync_copy(acc.at[pl.ds(base, npt)],
                        out_hbm.at[pl.ds(c * n + base, npt)])

        @pl.when(s == _TILES - 1)
        def _():
            if tail:
                pltpu.sync_copy(acc.at[pl.ds(npt * _TILES, tail)],
                                out_hbm.at[pl.ds(c * n + npt * _TILES, tail)])

    return deg_kernel(dst)


_K = 88
_NSLOT = 4
_SLAB = 8
_IRING = 3


@functools.partial(jax.jit, static_argnames=("n", "e", "nc"))
def _sc_prop(hs_flat, gsrc, dst, *, n, e, nc):
    k = _K
    ept = e // _TILES
    nblk = ept // k
    assert e % (_TILES * k) == 0 and nblk % _SLAB == 0
    nslab = nblk // _SLAB
    assert nslab >= 2
    slab_i = _SLAB * k
    npt, tail = _node_partition(n)
    cpq = nc // 2
    mesh = plsc.VectorSubcoreMesh(core_axis_name="c", subcore_axis_name="s",
                                  num_cores=2, num_subcores=_TILES)

    @functools.partial(
        pl.kernel,
        out_type=jax.ShapeDtypeStruct((nc * n, 128), jnp.float32),
        mesh=mesh,
        scratch_types=[
            [pltpu.VMEM((k, 128), jnp.float32) for _ in range(_NSLOT)],
            pltpu.VMEM((_IRING * slab_i,), jnp.int32),
            pltpu.VMEM((_IRING * slab_i,), jnp.int32),
            pltpu.VMEM_SHARED((n + 8, 128), jnp.float32),
            pltpu.SemaphoreType.DMA((_NSLOT,)),
            pltpu.SemaphoreType.DMA((_NSLOT,)),
            pltpu.SemaphoreType.DMA((_IRING,)),
            pltpu.SemaphoreType.DMA((_IRING,)),
        ],
    )
    def prop_kernel(hs_hbm, gsrc_hbm, dst_hbm, out_hbm,
                    rows, gbuf, dbuf, acc, gsem, ssem, gisem, disem):
        c = lax.axis_index("c")
        s = lax.axis_index("s")
        base = s * npt
        tbase = s * ept

        def gidx_at(ring, r):
            return gbuf.at[pl.ds(ring * slab_i + r * k, k)]

        def didx_at(ring, r):
            return dbuf.at[pl.ds(ring * slab_i + r * k, k)]

        def fire_gather(slot, ring, r):
            pltpu.async_copy(hs_hbm.at[gidx_at(ring, r)], rows[slot],
                             gsem.at[slot])

        def wait_gather(slot, ring, r):
            pltpu.make_async_copy(hs_hbm.at[gidx_at(ring, r)], rows[slot],
                                  gsem.at[slot]).wait()

        def fire_scatter(slot, ring, r):
            pltpu.async_copy(rows[slot], acc.at[didx_at(ring, r)],
                             ssem.at[slot], add=True)

        def wait_scatter(slot, ring, r):
            pltpu.make_async_copy(rows[slot], acc.at[didx_at(ring, r)],
                                  ssem.at[slot]).wait()

        for j in range(cpq):
            q = c * cpq + j
            qrow = q * n
            qsrc = q * e

            _zero_rows(rows[0], k, 128)
            _sliced_copy(lambda o, sz: rows[0].at[pl.ds(0, sz)],
                         lambda o, sz: acc.at[pl.ds(base + o, sz)], npt, k)

            @pl.when(s == _TILES - 1)
            def _():
                if tail:
                    pltpu.sync_copy(rows[0].at[pl.ds(0, tail)],
                                    acc.at[pl.ds(npt * _TILES, tail)])

            plsc.subcore_barrier()

            pltpu.sync_copy(gsrc_hbm.at[pl.ds(qsrc + tbase, slab_i)],
                            gbuf.at[pl.ds(0, slab_i)])
            pltpu.sync_copy(dst_hbm.at[pl.ds(tbase, slab_i)],
                            dbuf.at[pl.ds(0, slab_i)])
            fire_gather(0, 0, 0)
            fire_gather(1, 0, 1)

            def slab(g, _):
                ring = lax.rem(g, _IRING)
                nring = lax.rem(g + 1, _IRING)

                @pl.when(g < nslab - 1)
                def _():
                    off = (g + 1) * slab_i
                    pltpu.async_copy(
                        gsrc_hbm.at[pl.ds(qsrc + tbase + off, slab_i)],
                        gbuf.at[pl.ds(nring * slab_i, slab_i)],
                        gisem.at[nring])
                    pltpu.async_copy(
                        dst_hbm.at[pl.ds(tbase + off, slab_i)],
                        dbuf.at[pl.ds(nring * slab_i, slab_i)],
                        disem.at[nring])

                for jj in range(_SLAB):
                    t = jj % _NSLOT
                    sp = (t + 2) % _NSLOT
                    wait_gather(t, ring, jj)
                    fire_scatter(t, ring, jj)
                    if jj < 2:
                        @pl.when(g > 0)
                        def _():
                            wait_scatter(sp, ring, jj)
                        fire_gather(sp, ring, jj + 2)
                    elif jj < _SLAB - 2:
                        wait_scatter(sp, ring, jj)
                        fire_gather(sp, ring, jj + 2)
                    else:
                        wait_scatter(sp, ring, jj)
                        if jj == _SLAB - 2:
                            @pl.when(g < nslab - 1)
                            def _():
                                pltpu.make_async_copy(
                                    gsrc_hbm.at[pl.ds(qsrc + tbase, slab_i)],
                                    gbuf.at[pl.ds(nring * slab_i, slab_i)],
                                    gisem.at[nring]).wait()
                                pltpu.make_async_copy(
                                    dst_hbm.at[pl.ds(tbase, slab_i)],
                                    dbuf.at[pl.ds(nring * slab_i, slab_i)],
                                    disem.at[nring]).wait()

                        @pl.when(g < nslab - 1)
                        def _():
                            fire_gather(sp, nring, jj - (_SLAB - 2))
                return 0

            lax.fori_loop(0, nslab, slab, 0)
            wait_scatter(2, 0, 0)
            wait_scatter(3, 0, 0)
            plsc.subcore_barrier()
            pltpu.sync_copy(acc.at[pl.ds(base, npt)],
                            out_hbm.at[pl.ds(qrow + base, npt)])

            @pl.when(s == _TILES - 1)
            def _():
                if tail:
                    pltpu.sync_copy(acc.at[pl.ds(npt * _TILES, tail)],
                                    out_hbm.at[pl.ds(qrow + npt * _TILES, tail)])

            plsc.subcore_barrier()

    return prop_kernel(hs_flat, gsrc, dst)



def _tc_input(x, w0c, deg16, *, n, din):

    def body(x_ref, w_ref, deg_ref, hs_ref, dinv_ref):
        d = deg_ref[0, :, 0:1] + deg_ref[1, :, 0:1]
        dv = lax.rsqrt(jnp.maximum(d + 1.0, 1.0))
        h = jnp.dot(x_ref[...], w_ref[...], preferred_element_type=jnp.float32)
        hs_ref[0] = h * dv
        dinv_ref[...] = dv

    grid = (n // _BN, 4)
    return pl.pallas_call(
        body,
        grid=grid,
        in_specs=[
            pl.BlockSpec((_BN, din), lambda i, q: (i, 0)),
            pl.BlockSpec((din, 128), lambda i, q: (0, q)),
            pl.BlockSpec((2, _BN, 128), lambda i, q: (0, i, 0)),
        ],
        out_specs=[
            pl.BlockSpec((1, _BN, 128), lambda i, q: (q, i, 0)),
            pl.BlockSpec((_BN, 1), lambda i, q: (i, 0)),
        ],
        out_shape=[
            jax.ShapeDtypeStruct((4, n, 128), jnp.float32),
            jax.ShapeDtypeStruct((n, 1), jnp.float32),
        ],
    )(x, w0c, deg16)


def _tc_hidden(s4, hs4, dinv, bias4, bk, *, n):

    def body(s_ref, hs_ref, dinv_ref, b_ref, w_ref, out_ref):
        dv = dinv_ref[...]
        acc = jnp.zeros((_BN, 128), jnp.float32)
        for qi in range(4):
            f = dv * (s_ref[qi] + hs_ref[qi]) + b_ref[qi]
            acc += jnp.dot(f, w_ref[pl.ds(qi * 128, 128), :],
                           preferred_element_type=jnp.float32)
        out_ref[0] = acc * dv

    grid = (n // _BN, 4)
    return pl.pallas_call(
        body,
        grid=grid,
        in_specs=[
            pl.BlockSpec((4, _BN, 128), lambda i, qo: (0, i, 0)),
            pl.BlockSpec((4, _BN, 128), lambda i, qo: (0, i, 0)),
            pl.BlockSpec((_BN, 1), lambda i, qo: (i, 0)),
            pl.BlockSpec((4, 1, 128), lambda i, qo: (0, 0, 0)),
            pl.BlockSpec((512, 128), lambda i, qo: (0, qo)),
        ],
        out_specs=pl.BlockSpec((1, _BN, 128), lambda i, qo: (qo, i, 0)),
        out_shape=jax.ShapeDtypeStruct((4, n, 128), jnp.float32),
    )(s4, hs4, dinv, bias4, bk)


def _tc_output(s2, hs2, dinv, bias2, wo, bo, *, n, dout):

    def body(s_ref, hs_ref, dinv_ref, b_ref, w_ref, bo_ref, out_ref):
        dv = dinv_ref[...]
        acc = jnp.zeros((_BN, dout), jnp.float32) + bo_ref[...]
        for qi in range(2):
            f = dv * (s_ref[qi] + hs_ref[qi]) + b_ref[qi]
            acc += jnp.dot(f, w_ref[pl.ds(qi * 128, 128), :],
                           preferred_element_type=jnp.float32)
        out_ref[...] = acc

    grid = (n // _BN,)
    return pl.pallas_call(
        body,
        grid=grid,
        in_specs=[
            pl.BlockSpec((2, _BN, 128), lambda i: (0, i, 0)),
            pl.BlockSpec((2, _BN, 128), lambda i: (0, i, 0)),
            pl.BlockSpec((_BN, 1), lambda i: (i, 0)),
            pl.BlockSpec((2, 1, 128), lambda i: (0, 0, 0)),
            pl.BlockSpec((256, dout), lambda i: (0, 0)),
            pl.BlockSpec((1, dout), lambda i: (0, 0)),
        ],
        out_specs=pl.BlockSpec((_BN, dout), lambda i: (i, 0)),
        out_shape=jax.ShapeDtypeStruct((n, dout), jnp.float32),
    )(s2, hs2, dinv, bias2, wo, bo)



def kernel(x, edge_index, Wr0, Wi0, br0, bi0, Wr, Wi, br, bi, Wo, bo):
    n, din = x.shape
    e = edge_index.shape[1]
    nl = Wr.shape[0]
    dout = Wo.shape[1]
    src = edge_index[0].astype(jnp.int32)
    dst = edge_index[1].astype(jnp.int32)

    grp = _TILES * _K * _SLAB
    epad = ((e + grp - 1) // grp) * grp
    pad = epad - e
    if pad:
        ar = jnp.arange(pad, dtype=jnp.int32)
        src_p = jnp.concatenate([src, ar % n])
        dst_p = jnp.concatenate([dst, n + (ar % 8)])
    else:
        src_p, dst_p = src, dst
    gsrc = (src_p[None, :] +
            (jnp.arange(4, dtype=jnp.int32) * n)[:, None]).reshape(-1)

    w0c = jnp.concatenate([Wr0, Wi0], axis=1)
    biases = [jnp.concatenate([br0, bi0]).reshape(4, 1, 128)]
    bks = []
    for kk in range(nl):
        ws = 0.5 * (Wr[kk] + Wr[kk].T)
        wa = 0.5 * (Wi[kk] - Wi[kk].T)
        bks.append(jnp.concatenate([
            jnp.concatenate([ws, wa], axis=1),
            jnp.concatenate([-wa, ws], axis=1),
        ], axis=0))
        biases.append(jnp.concatenate([br[kk], bi[kk]]).reshape(4, 1, 128))

    deg16 = _sc_deg(dst, n=n, e=e).reshape(2, n, 128)
    hs, dinv = _tc_input(x, w0c, deg16, n=n, din=din)

    for kk in range(nl - 1):
        s_flat = _sc_prop(hs.reshape(4 * n, 128), gsrc, dst_p,
                          n=n, e=epad, nc=4)
        hs = _tc_hidden(s_flat.reshape(4, n, 128), hs, dinv,
                        biases[kk], bks[kk], n=n)

    s_flat = _sc_prop(hs.reshape(4 * n, 128), gsrc, dst_p,
                      n=n, e=epad, nc=4)
    hs = _tc_hidden(s_flat.reshape(4, n, 128), hs, dinv,
                    biases[nl - 1], bks[nl - 1], n=n)

    s2 = _sc_prop(hs.reshape(4 * n, 128), gsrc, dst_p,
                  n=n, e=epad, nc=2)
    out = _tc_output(s2.reshape(2, n, 128), hs[:2], dinv,
                     biases[nl].reshape(4, 1, 128)[:2], Wo,
                     bo.reshape(1, dout), n=n, dout=dout)
    return out

# --- scband reference (transcript-rebuilt; emitter-appended) ---
"""Pipeline reference for scband-complex-gcn-42245298323971 (READ-ONLY COPY).

The authoritative reference and input builder live on the scoring server;
editing this copy changes nothing except your own understanding.
"""

import jax, jax.numpy as jnp
import numpy as np

N = 10000
E = 320000
DIN = 128
DH = 256
DOUT = 256
NL = 3


def setup_inputs(seed: int = 0):
    key = jax.random.key(seed)
    ks = jax.random.split(key, 8)
    x = jax.random.normal(ks[0], (N, DIN), dtype=jnp.float32)
    edge_index = jax.random.randint(ks[1], (2, E), 0, N)
    s0 = 1.0 / np.sqrt(DIN)
    sh = 1.0 / np.sqrt(DH)
    Wr0 = jax.random.normal(ks[2], (DIN, DH), jnp.float32) * s0
    Wi0 = jax.random.normal(ks[3], (DIN, DH), jnp.float32) * s0
    br0 = jnp.zeros((DH,), jnp.float32)
    bi0 = jnp.zeros((DH,), jnp.float32)
    Wr = jax.random.normal(ks[4], (NL, DH, DH), jnp.float32) * sh
    Wi = jax.random.normal(ks[5], (NL, DH, DH), jnp.float32) * sh
    br = jnp.zeros((NL, DH), jnp.float32)
    bi = jnp.zeros((NL, DH), jnp.float32)
    Wo = jax.random.normal(ks[6], (DH, DOUT), jnp.float32) * sh
    bo = jnp.zeros((DOUT,), jnp.float32)
    return {"x": x, "edge_index": edge_index, "Wr0": Wr0, "Wi0": Wi0,
            "br0": br0, "bi0": bi0, "Wr": Wr, "Wi": Wi, "br": br, "bi": bi,
            "Wo": Wo, "bo": bo}


def _prop(h, src, dst, norm, n):
    # GCN message passing: scatter-add of normalized messages onto dst nodes
    return jax.ops.segment_sum(h[src] * norm[:, None], dst, num_segments=n)


def reference(x, edge_index, Wr0, Wi0, br0, bi0, Wr, Wi, br, bi, Wo, bo):
    n = x.shape[0]
    loops = jnp.arange(n)
    src = jnp.concatenate([edge_index[0], loops])
    dst = jnp.concatenate([edge_index[1], loops])
    deg = jax.ops.segment_sum(jnp.ones_like(dst, jnp.float32), dst, num_segments=n)
    dinv = 1.0 / jnp.sqrt(jnp.maximum(deg, 1.0))
    norm = dinv[src] * dinv[dst]
    # Unitary input layer: real input lifted to complex features (xi starts at 0)
    hr = x @ Wr0
    hi = x @ Wi0
    xr = _prop(hr, src, dst, norm, n) + br0
    xi = _prop(hi, src, dst, norm, n) + bi0
    # Hermitian hidden layers: W = sym(Wr) + i * antisym(Wi) is Hermitian
    for k in range(NL):
        Ws = 0.5 * (Wr[k] + Wr[k].T)
        Wa = 0.5 * (Wi[k] - Wi[k].T)
        hr = xr @ Ws - xi @ Wa
        hi = xr @ Wa + xi @ Ws
        xr = _prop(hr, src, dst, norm, n) + br[k]
        xi = _prop(hi, src, dst, norm, n) + bi[k]
        # dropout on real/imag parts is identity in eval mode
    # output_layer applied to real part
    return xr @ Wo + bo

if __name__ == "__main__":
    import jax
    _d = setup_inputs()
    print(jax.jit(kernel)(*tuple(_d.values())))

</pallas_src>

<mosaic_0001>
#map = affine_map<(d0, d1) -> (0)>
#map1 = affine_map<(d0, d1) -> (0, 0)>
module attributes {stable_mosaic.version = 14 : i64} {
  func.func @deg_kernel(%arg0: i32, %arg1: i32, %arg2: memref<320000xi32, #tpu.memory_space<hbm>>, %arg3: memref<20000x128xf32, #tpu.memory_space<hbm>>, %arg4: memref<80x128xf32, #tpu.memory_space<vmem>>, %arg5: memref<80x128xf32, #tpu.memory_space<vmem>>, %arg6: memref<640xi32, #tpu.memory_space<vmem>>, %arg7: memref<10000x128xf32, #tpu.memory_space<vmem_shared>>, %arg8: memref<8x!tpu.dma_semaphore, #tpu.memory_space<semaphore_mem>>, %arg9: memref<4x!tpu.dma_semaphore, #tpu.memory_space<semaphore_mem>>) attributes {dimension_semantics = [#tpu.dimension_semantics<core_parallel>, #tpu.dimension_semantics<subcore_parallel>], iteration_bounds = array<i64: 2, 16>, scalar_prefetch = 0 : i64, scratch_operands = 6 : i64, tpu.core_type = #tpu.core_type<sc_vector_subcore>, window_params = [{transform_indices = #map}, {transform_indices = #map1}]} {
    %broadcast_in_dim3A = arith.constant 1.000000e+00 : f32
    %broadcast_in_dim3A_0 = vector.broadcast %broadcast_in_dim3A : f32 to vector<16xf32>
    %scan3A = arith.constant 0 : i32
    %scan3A_1 = arith.constant 0 : i32
    %scan3A_2 = arith.constant 80 : i32
    %scan3A_3 = arith.addi %scan3A_1, %scan3A_2 : i32
    %scan3A_4 = arith.constant 1 : i32
    %scan3A_5 = scf.for %scan3A_162 = %scan3A_1 to %scan3A_3 step %scan3A_4 iter_args(%scan3A_163 = %scan3A) -> (i32)  : i32 {
      %swap3A = arith.index_cast %scan3A_162 : i32 to index
      %swap3A_164 = arith.constant 0 : index
      %swap3A_165 = tpu.vector_load %arg4[%swap3A, %swap3A_164] {strides = array<i32>} : memref<80x128xf32, #tpu.memory_space<vmem>>, vector<1x16xf32>,
      %swap3A_166 = vector.shape_cast %swap3A_165 : vector<1x16xf32> to vector<16xf32>
      %swap3A_167 = vector.shape_cast %broadcast_in_dim3A_0 : vector<16xf32> to vector<1x16xf32>
      tpu.vector_store %arg4[%swap3A, %swap3A_164], %swap3A_167 {strides = array<i32>} : memref<80x128xf32, #tpu.memory_space<vmem>>, vector<1x16xf32>,
      %swap3A_168 = arith.index_cast %scan3A_162 : i32 to index
      %swap3A_169 = arith.constant 16 : index
      %swap3A_170 = tpu.vector_load %arg4[%swap3A_168, %swap3A_169] {strides = array<i32>} : memref<80x128xf32, #tpu.memory_space<vmem>>, vector<1x16xf32>,
      %swap3A_171 = vector.shape_cast %swap3A_170 : vector<1x16xf32> to vector<16xf32>
      %swap3A_172 = vector.shape_cast %broadcast_in_dim3A_0 : vector<16xf32> to vector<1x16xf32>
      tpu.vector_store %arg4[%swap3A_168, %swap3A_169], %swap3A_172 {strides = array<i32>} : memref<80x128xf32, #tpu.memory_space<vmem>>, vector<1x16xf32>,
      %swap3A_173 = arith.index_cast %scan3A_162 : i32 to index
      %swap3A_174 = arith.constant 32 : index
      %swap3A_175 = tpu.vector_load %arg4[%swap3A_173, %swap3A_174] {strides = array<i32>} : memref<80x128xf32, #tpu.memory_space<vmem>>, vector<1x16xf32>,
      %swap3A_176 = vector.shape_cast %swap3A_175 : vector<1x16xf32> to vector<16xf32>
      %swap3A_177 = vector.shape_cast %broadcast_in_dim3A_0 : vector<16xf32> to vector<1x16xf32>
      tpu.vector_store %arg4[%swap3A_173, %swap3A_174], %swap3A_177 {strides = array<i32>} : memref<80x128xf32, #tpu.memory_space<vmem>>, vector<1x16xf32>,
      %swap3A_178 = arith.index_cast %scan3A_162 : i32 to index
      %swap3A_179 = arith.constant 48 : index
      %swap3A_180 = tpu.vector_load %arg4[%swap3A_178, %swap3A_179] {strides = array<i32>} : memref<80x128xf32, #tpu.memory_space<vmem>>, vector<1x16xf32>,
      %swap3A_181 = vector.shape_cast %swap3A_180 : vector<1x16xf32> to vector<16xf32>
      %swap3A_182 = vector.shape_cast %broadcast_in_dim3A_0 : vector<16xf32> to vector<1x16xf32>
      tpu.vector_store %arg4[%swap3A_178, %swap3A_179], %swap3A_182 {strides = array<i32>} : memref<80x128xf32, #tpu.memory_space<vmem>>, vector<1x16xf32>,
      %swap3A_183 = arith.index_cast %scan3A_162 : i32 to index
      %swap3A_184 = arith.constant 64 : index
      %swap3A_185 = tpu.vector_load %arg4[%swap3A_183, %swap3A_184] {strides = array<i32>} : memref<80x128xf32, #tpu.memory_space<vmem>>, vector<1x16xf32>,
      %swap3A_186 = vector.shape_cast %swap3A_185 : vector<1x16xf32> to vector<16xf32>
      %swap3A_187 = vector.shape_cast %broadcast_in_dim3A_0 : vector<16xf32> to vector<1x16xf32>
      tpu.vector_store %arg4[%swap3A_183, %swap3A_184], %swap3A_187 {strides = array<i32>} : memref<80x128xf32, #tpu.memory_space<vmem>>, vector<1x16xf32>,
      %swap3A_188 = arith.index_cast %scan3A_162 : i32 to index
      %swap3A_189 = arith.constant 80 : index
      %swap3A_190 = tpu.vector_load %arg4[%swap3A_188, %swap3A_189] {strides = array<i32>} : memref<80x128xf32, #tpu.memory_space<vmem>>, vector<1x16xf32>,
      %swap3A_191 = vector.shape_cast %swap3A_190 : vector<1x16xf32> to vector<16xf32>
      %swap3A_192 = vector.shape_cast %broadcast_in_dim3A_0 : vector<16xf32> to vector<1x16xf32>
      tpu.vector_store %arg4[%swap3A_188, %swap3A_189], %swap3A_192 {strides = array<i32>} : memref<80x128xf32, #tpu.memory_space<vmem>>, vector<1x16xf32>,
      %swap3A_193 = arith.index_cast %scan3A_162 : i32 to index
      %swap3A_194 = arith.constant 96 : index
      %swap3A_195 = tpu.vector_load %arg4[%swap3A_193, %swap3A_194] {strides = array<i32>} : memref<80x128xf32, #tpu.memory_space<vmem>>, vector<1x16xf32>,
      %swap3A_196 = vector.shape_cast %swap3A_195 : vector<1x16xf32> to vector<16xf32>
      %swap3A_197 = vector.shape_cast %broadcast_in_dim3A_0 : vector<16xf32> to vector<1x16xf32>
      tpu.vector_store %arg4[%swap3A_193, %swap3A_194], %swap3A_197 {strides = array<i32>} : memref<80x128xf32, #tpu.memory_space<vmem>>, vector<1x16xf32>,
      %swap3A_198 = arith.index_cast %scan3A_162 : i32 to index
      %swap3A_199 = arith.constant 112 : index
      %swap3A_200 = tpu.vector_load %arg4[%swap3A_198, %swap3A_199] {strides = array<i32>} : memref<80x128xf32, #tpu.memory_space<vmem>>, vector<1x16xf32>,
      %swap3A_201 = vector.shape_cast %swap3A_200 : vector<1x16xf32> to vector<16xf32>
      %swap3A_202 = vector.shape_cast %broadcast_in_dim3A_0 : vector<16xf32> to vector<1x16xf32>
      tpu.vector_store %arg4[%swap3A_198, %swap3A_199], %swap3A_202 {strides = array<i32>} : memref<80x128xf32, #tpu.memory_space<vmem>>, vector<1x16xf32>,
      %scan3A_203 = arith.constant 0 : i32
      scf.yield %scan3A_203 : i32
    }
    %scan3A_6 = arith.constant 80 : i32
    %broadcast_in_dim3A_7 = arith.constant 0.000000e+00 : f32
    %broadcast_in_dim3A_8 = vector.broadcast %broadcast_in_dim3A_7 : f32 to vector<16xf32>
    %scan3A_9 = arith.constant 0 : i32
    %scan3A_10 = arith.constant 0 : i32
    %scan3A_11 = arith.constant 80 : i32
    %scan3A_12 = arith.addi %scan3A_10, %scan3A_11 : i32
    %scan3A_13 = arith.constant 1 : i32
    %scan3A_14 = scf.for %scan3A_162 = %scan3A_10 to %scan3A_12 step %scan3A_13 iter_args(%scan3A_163 = %scan3A_9) -> (i32)  : i32 {
      %swap3A = arith.index_cast %scan3A_162 : i32 to index
      %swap3A_164 = arith.constant 0 : index
      %swap3A_165 = tpu.vector_load %arg5[%swap3A, %swap3A_164] {strides = array<i32>} : memref<80x128xf32, #tpu.memory_space<vmem>>, vector<1x16xf32>,
      %swap3A_166 = vector.shape_cast %swap3A_165 : vector<1x16xf32> to vector<16xf32>
      %swap3A_167 = vector.shape_cast %broadcast_in_dim3A_8 : vector<16xf32> to vector<1x16xf32>
      tpu.vector_store %arg5[%swap3A, %swap3A_164], %swap3A_167 {strides = array<i32>} : memref<80x128xf32, #tpu.memory_space<vmem>>, vector<1x16xf32>,
      %swap3A_168 = arith.index_cast %scan3A_162 : i32 to index
      %swap3A_169 = arith.constant 16 : index
      %swap3A_170 = tpu.vector_load %arg5[%swap3A_168, %swap3A_169] {strides = array<i32>} : memref<80x128xf32, #tpu.memory_space<vmem>>, vector<1x16xf32>,
      %swap3A_171 = vector.shape_cast %swap3A_170 : vector<1x16xf32> to vector<16xf32>
      %swap3A_172 = vector.shape_cast %broadcast_in_dim3A_8 : vector<16xf32> to vector<1x16xf32>
      tpu.vector_store %arg5[%swap3A_168, %swap3A_169], %swap3A_172 {strides = array<i32>} : memref<80x128xf32, #tpu.memory_space<vmem>>, vector<1x16xf32>,
      %swap3A_173 = arith.index_cast %scan3A_162 : i32 to index
      %swap3A_174 = arith.constant 32 : index
      %swap3A_175 = tpu.vector_load %arg5[%swap3A_173, %swap3A_174] {strides = array<i32>} : memref<80x128xf32, #tpu.memory_space<vmem>>, vector<1x16xf32>,
      %swap3A_176 = vector.shape_cast %swap3A_175 : vector<1x16xf32> to vector<16xf32>
      %swap3A_177 = vector.shape_cast %broadcast_in_dim3A_8 : vector<16xf32> to vector<1x16xf32>
      tpu.vector_store %arg5[%swap3A_173, %swap3A_174], %swap3A_177 {strides = array<i32>} : memref<80x128xf32, #tpu.memory_space<vmem>>, vector<1x16xf32>,
      %swap3A_178 = arith.index_cast %scan3A_162 : i32 to index
      %swap3A_179 = arith.constant 48 : index
      %swap3A_180 = tpu.vector_load %arg5[%swap3A_178, %swap3A_179] {strides = array<i32>} : memref<80x128xf32, #tpu.memory_space<vmem>>, vector<1x16xf32>,
      %swap3A_181 = vector.shape_cast %swap3A_180 : vector<1x16xf32> to vector<16xf32>
      %swap3A_182 = vector.shape_cast %broadcast_in_dim3A_8 : vector<16xf32> to vector<1x16xf32>
      tpu.vector_store %arg5[%swap3A_178, %swap3A_179], %swap3A_182 {strides = array<i32>} : memref<80x128xf32, #tpu.memory_space<vmem>>, vector<1x16xf32>,
      %swap3A_183 = arith.index_cast %scan3A_162 : i32 to index
      %swap3A_184 = arith.constant 64 : index
      %swap3A_185 = tpu.vector_load %arg5[%swap3A_183, %swap3A_184] {strides = array<i32>} : memref<80x128xf32, #tpu.memory_space<vmem>>, vector<1x16xf32>,
      %swap3A_186 = vector.shape_cast %swap3A_185 : vector<1x16xf32> to vector<16xf32>
      %swap3A_187 = vector.shape_cast %broadcast_in_dim3A_8 : vector<16xf32> to vector<1x16xf32>
      tpu.vector_store %arg5[%swap3A_183, %swap3A_184], %swap3A_187 {strides = array<i32>} : memref<80x128xf32, #tpu.memory_space<vmem>>, vector<1x16xf32>,
      %swap3A_188 = arith.index_cast %scan3A_162 : i32 to index
      %swap3A_189 = arith.constant 80 : index
      %swap3A_190 = tpu.vector_load %arg5[%swap3A_188, %swap3A_189] {strides = array<i32>} : memref<80x128xf32, #tpu.memory_space<vmem>>, vector<1x16xf32>,
      %swap3A_191 = vector.shape_cast %swap3A_190 : vector<1x16xf32> to vector<16xf32>
      %swap3A_192 = vector.shape_cast %broadcast_in_dim3A_8 : vector<16xf32> to vector<1x16xf32>
      tpu.vector_store %arg5[%swap3A_188, %swap3A_189], %swap3A_192 {strides = array<i32>} : memref<80x128xf32, #tpu.memory_space<vmem>>, vector<1x16xf32>,
      %swap3A_193 = arith.index_cast %scan3A_162 : i32 to index
      %swap3A_194 = arith.constant 96 : index
      %swap3A_195 = tpu.vector_load %arg5[%swap3A_193, %swap3A_194] {strides = array<i32>} : memref<80x128xf32, #tpu.memory_space<vmem>>, vector<1x16xf32>,
      %swap3A_196 = vector.shape_cast %swap3A_195 : vector<1x16xf32> to vector<16xf32>
      %swap3A_197 = vector.shape_cast %broadcast_in_dim3A_8 : vector<16xf32> to vector<1x16xf32>
      tpu.vector_store %arg5[%swap3A_193, %swap3A_194], %swap3A_197 {strides = array<i32>} : memref<80x128xf32, #tpu.memory_space<vmem>>, vector<1x16xf32>,
      %swap3A_198 = arith.index_cast %scan3A_162 : i32 to index
      %swap3A_199 = arith.constant 112 : index
      %swap3A_200 = tpu.vector_load %arg5[%swap3A_198, %swap3A_199] {strides = array<i32>} : memref<80x128xf32, #tpu.memory_space<vmem>>, vector<1x16xf32>,
      %swap3A_201 = vector.shape_cast %swap3A_200 : vector<1x16xf32> to vector<16xf32>
      %swap3A_202 = vector.shape_cast %broadcast_in_dim3A_8 : vector<16xf32> to vector<1x16xf32>
      tpu.vector_store %arg5[%swap3A_198, %swap3A_199], %swap3A_202 {strides = array<i32>} : memref<80x128xf32, #tpu.memory_space<vmem>>, vector<1x16xf32>,
      %scan3A_203 = arith.constant 0 : i32
      scf.yield %scan3A_203 : i32
    }
    %scan3A_15 = arith.constant 80 : i32
    %mul3A = arith.constant 160000 : i32
    %mul3A_16 = arith.muli %arg0, %mul3A : i32
    %mul3A_17 = arith.constant 10000 : i32
    %mul3A_18 = arith.muli %arg1, %mul3A_17 : i32
    %add3A = arith.addi %mul3A_16, %mul3A_18 : i32
    %mul3A_19 = arith.constant 624 : i32
    %mul3A_20 = arith.muli %arg1, %mul3A_19 : i32
    %add3A_21 = arith.constant 0 : i32
    %add3A_22 = arith.addi %mul3A_20, %add3A_21 : i32
    "tpu.region"() ({
      %run_scoped3A = tpu.sem_alloc : memref<!tpu.dma_semaphore, #tpu.memory_space<semaphore_mem>>
      %dma_start3A_162 = arith.constant 0 : i32
      %dma_start3A_163 = arith.constant 0 : i32
      %dma_start3A_164 = tpu.memref_slice %arg5[%dma_start3A_162, %dma_start3A_163] : memref<80x128xf32, #tpu.memory_space<vmem>> -> memref<80x128xf32, #tpu.memory_space<vmem>>
      %dma_start3A_165 = arith.constant 0 : i32
      %dma_start3A_166 = tpu.memref_slice %arg7[%add3A_22, %dma_start3A_165] : memref<10000x128xf32, #tpu.memory_space<vmem_shared>> -> memref<80x128xf32, #tpu.memory_space<vmem_shared>>
      %dma_start3A_167 = arith.constant 0 : i32
      %dma_start3A_168 = tpu.memref_slice %arg7[%add3A_22, %dma_start3A_167] : memref<10000x128xf32, #tpu.memory_space<vmem_shared>> -> memref<80x128xf32, #tpu.memory_space<vmem_shared>>
      %dma_start3A_169 = arith.constant 0 : i32
      %dma_start3A_170 = arith.constant 0 : i32
      %dma_start3A_171 = tpu.memref_slice %arg5[%dma_start3A_169, %dma_start3A_170] : memref<80x128xf32, #tpu.memory_space<vmem>> -> memref<80x128xf32, #tpu.memory_space<vmem>>
      tpu.enqueue_dma source(%dma_start3A_171 : memref<80x128xf32, #tpu.memory_space<vmem>>) target(%dma_start3A_168 : memref<80x128xf32, #tpu.memory_space<vmem_shared>>) target_semaphore(%run_scoped3A : memref<!tpu.dma_semaphore, #tpu.memory_space<semaphore_mem>>)
      %dma_wait3A_172 = arith.constant 0 : i32
      %dma_wait3A_173 = arith.constant 0 : i32
      %dma_wait3A_174 = tpu.memref_slice %arg5[%dma_wait3A_172, %dma_wait3A_173] : memref<80x128xf32, #tpu.memory_space<vmem>> -> memref<80x128xf32, #tpu.memory_space<vmem>>
      %dma_wait3A_175 = arith.constant 0 : i32
      %dma_wait3A_176 = tpu.memref_slice %arg7[%add3A_22, %dma_wait3A_175] : memref<10000x128xf32, #tpu.memory_space<vmem_shared>> -> memref<80x128xf32, #tpu.memory_space<vmem_shared>>
      %dma_wait3A_177 = arith.constant 0 : i32
      %dma_wait3A_178 = tpu.memref_slice %arg7[%add3A_22, %dma_wait3A_177] : memref<10000x128xf32, #tpu.memory_space<vmem_shared>> -> memref<80x128xf32, #tpu.memory_space<vmem_shared>>
      %dma_wait3A_179 = arith.constant 0 : i32
      %dma_wait3A_180 = arith.constant 0 : i32
      %dma_wait3A_181 = tpu.memref_slice %arg5[%dma_wait3A_179, %dma_wait3A_180] : memref<80x128xf32, #tpu.memory_space<vmem>> -> memref<80x128xf32, #tpu.memory_space<vmem>>
      tpu.wait_dma2 semaphore(%run_scoped3A : memref<!tpu.dma_semaphore, #tpu.memory_space<semaphore_mem>>) src(%dma_wait3A_181 : memref<80x128xf32, #tpu.memory_space<vmem>>) dst(%dma_wait3A_178 : memref<80x128xf32, #tpu.memory_space<vmem_shared>>)
      tpu.yield
    }) : () -> ()
    %add3A_23 = arith.constant 80 : i32
    %add3A_24 = arith.addi %mul3A_20, %add3A_23 : i32
    "tpu.region"() ({
      %run_scoped3A = tpu.sem_alloc : memref<!tpu.dma_semaphore, #tpu.memory_space<semaphore_mem>>
      %dma_start3A_162 = arith.constant 0 : i32
      %dma_start3A_163 = arith.constant 0 : i32
      %dma_start3A_164 = tpu.memref_slice %arg5[%dma_start3A_162, %dma_start3A_163] : memref<80x128xf32, #tpu.memory_space<vmem>> -> memref<80x128xf32, #tpu.memory_space<vmem>>
      %dma_start3A_165 = arith.constant 0 : i32
      %dma_start3A_166 = tpu.memref_slice %arg7[%add3A_24, %dma_start3A_165] : memref<10000x128xf32, #tpu.memory_space<vmem_shared>> -> memref<80x128xf32, #tpu.memory_space<vmem_shared>>
      %dma_start3A_167 = arith.constant 0 : i32
      %dma_start3A_168 = tpu.memref_slice %arg7[%add3A_24, %dma_start3A_167] : memref<10000x128xf32, #tpu.memory_space<vmem_shared>> -> memref<80x128xf32, #tpu.memory_space<vmem_shared>>
      %dma_start3A_169 = arith.constant 0 : i32
      %dma_start3A_170 = arith.constant 0 : i32
      %dma_start3A_171 = tpu.memref_slice %arg5[%dma_start3A_169, %dma_start3A_170] : memref<80x128xf32, #tpu.memory_space<vmem>> -> memref<80x128xf32, #tpu.memory_space<vmem>>
      tpu.enqueue_dma source(%dma_start3A_171 : memref<80x128xf32, #tpu.memory_space<vmem>>) target(%dma_start3A_168 : memref<80x128xf32, #tpu.memory_space<vmem_shared>>) target_semaphore(%run_scoped3A : memref<!tpu.dma_semaphore, #tpu.memory_space<semaphore_mem>>)
      %dma_wait3A_172 = arith.constant 0 : i32
      %dma_wait3A_173 = arith.constant 0 : i32
      %dma_wait3A_174 = tpu.memref_slice %arg5[%dma_wait3A_172, %dma_wait3A_173] : memref<80x128xf32, #tpu.memory_space<vmem>> -> memref<80x128xf32, #tpu.memory_space<vmem>>
      %dma_wait3A_175 = arith.constant 0 : i32
      %dma_wait3A_176 = tpu.memref_slice %arg7[%add3A_24, %dma_wait3A_175] : memref<10000x128xf32, #tpu.memory_space<vmem_shared>> -> memref<80x128xf32, #tpu.memory_space<vmem_shared>>
      %dma_wait3A_177 = arith.constant 0 : i32
      %dma_wait3A_178 = tpu.memref_slice %arg7[%add3A_24, %dma_wait3A_177] : memref<10000x128xf32, #tpu.memory_space<vmem_shared>> -> memref<80x128xf32, #tpu.memory_space<vmem_shared>>
      %dma_wait3A_179 = arith.constant 0 : i32
      %dma_wait3A_180 = arith.constant 0 : i32
      %dma_wait3A_181 = tpu.memref_slice %arg5[%dma_wait3A_179, %dma_wait3A_180] : memref<80x128xf32, #tpu.memory_space<vmem>> -> memref<80x128xf32, #tpu.memory_space<vmem>>
      tpu.wait_dma2 semaphore(%run_scoped3A : memref<!tpu.dma_semaphore, #tpu.memory_space<semaphore_mem>>) src(%dma_wait3A_181 : memref<80x128xf32, #tpu.memory_space<vmem>>) dst(%dma_wait3A_178 : memref<80x128xf32, #tpu.memory_space<vmem_shared>>)
      tpu.yield
    }) : () -> ()
    %add3A_25 = arith.constant 160 : i32
    %add3A_26 = arith.addi %mul3A_20, %add3A_25 : i32
    "tpu.region"() ({
      %run_scoped3A = tpu.sem_alloc : memref<!tpu.dma_semaphore, #tpu.memory_space<semaphore_mem>>
      %dma_start3A_162 = arith.constant 0 : i32
      %dma_start3A_163 = arith.constant 0 : i32
      %dma_start3A_164 = tpu.memref_slice %arg5[%dma_start3A_162, %dma_start3A_163] : memref<80x128xf32, #tpu.memory_space<vmem>> -> memref<80x128xf32, #tpu.memory_space<vmem>>
      %dma_start3A_165 = arith.constant 0 : i32
      %dma_start3A_166 = tpu.memref_slice %arg7[%add3A_26, %dma_start3A_165] : memref<10000x128xf32, #tpu.memory_space<vmem_shared>> -> memref<80x128xf32, #tpu.memory_space<vmem_shared>>
      %dma_start3A_167 = arith.constant 0 : i32
      %dma_start3A_168 = tpu.memref_slice %arg7[%add3A_26, %dma_start3A_167] : memref<10000x128xf32, #tpu.memory_space<vmem_shared>> -> memref<80x128xf32, #tpu.memory_space<vmem_shared>>
      %dma_start3A_169 = arith.constant 0 : i32
      %dma_start3A_170 = arith.constant 0 : i32
      %dma_start3A_171 = tpu.memref_slice %arg5[%dma_start3A_169, %dma_start3A_170] : memref<80x128xf32, #tpu.memory_space<vmem>> -> memref<80x128xf32, #tpu.memory_space<vmem>>
      tpu.enqueue_dma source(%dma_start3A_171 : memref<80x128xf32, #tpu.memory_space<vmem>>) target(%dma_start3A_168 : memref<80x128xf32, #tpu.memory_space<vmem_shared>>) target_semaphore(%run_scoped3A : memref<!tpu.dma_semaphore, #tpu.memory_space<semaphore_mem>>)
      %dma_wait3A_172 = arith.constant 0 : i32
      %dma_wait3A_173 = arith.constant 0 : i32
      %dma_wait3A_174 = tpu.memref_slice %arg5[%dma_wait3A_172, %dma_wait3A_173] : memref<80x128xf32, #tpu.memory_space<vmem>> -> memref<80x128xf32, #tpu.memory_space<vmem>>
      %dma_wait3A_175 = arith.constant 0 : i32
      %dma_wait3A_176 = tpu.memref_slice %arg7[%add3A_26, %dma_wait3A_175] : memref<10000x128xf32, #tpu.memory_space<vmem_shared>> -> memref<80x128xf32, #tpu.memory_space<vmem_shared>>
      %dma_wait3A_177 = arith.constant 0 : i32
      %dma_wait3A_178 = tpu.memref_slice %arg7[%add3A_26, %dma_wait3A_177] : memref<10000x128xf32, #tpu.memory_space<vmem_shared>> -> memref<80x128xf32, #tpu.memory_space<vmem_shared>>
      %dma_wait3A_179 = arith.constant 0 : i32
      %dma_wait3A_180 = arith.constant 0 : i32
      %dma_wait3A_181 = tpu.memref_slice %arg5[%dma_wait3A_179, %dma_wait3A_180] : memref<80x128xf32, #tpu.memory_space<vmem>> -> memref<80x128xf32, #tpu.memory_space<vmem>>
      tpu.wait_dma2 semaphore(%run_scoped3A : memref<!tpu.dma_semaphore, #tpu.memory_space<semaphore_mem>>) src(%dma_wait3A_181 : memref<80x128xf32, #tpu.memory_space<vmem>>) dst(%dma_wait3A_178 : memref<80x128xf32, #tpu.memory_space<vmem_shared>>)
      tpu.yield
    }) : () -> ()
    %add3A_27 = arith.constant 240 : i32
    %add3A_28 = arith.addi %mul3A_20, %add3A_27 : i32
    "tpu.region"() ({
      %run_scoped3A = tpu.sem_alloc : memref<!tpu.dma_semaphore, #tpu.memory_space<semaphore_mem>>
      %dma_start3A_162 = arith.constant 0 : i32
      %dma_start3A_163 = arith.constant 0 : i32
      %dma_start3A_164 = tpu.memref_slice %arg5[%dma_start3A_162, %dma_start3A_163] : memref<80x128xf32, #tpu.memory_space<vmem>> -> memref<80x128xf32, #tpu.memory_space<vmem>>
      %dma_start3A_165 = arith.constant 0 : i32
      %dma_start3A_166 = tpu.memref_slice %arg7[%add3A_28, %dma_start3A_165] : memref<10000x128xf32, #tpu.memory_space<vmem_shared>> -> memref<80x128xf32, #tpu.memory_space<vmem_shared>>
      %dma_start3A_167 = arith.constant 0 : i32
      %dma_start3A_168 = tpu.memref_slice %arg7[%add3A_28, %dma_start3A_167] : memref<10000x128xf32, #tpu.memory_space<vmem_shared>> -> memref<80x128xf32, #tpu.memory_space<vmem_shared>>
      %dma_start3A_169 = arith.constant 0 : i32
      %dma_start3A_170 = arith.constant 0 : i32
      %dma_start3A_171 = tpu.memref_slice %arg5[%dma_start3A_169, %dma_start3A_170] : memref<80x128xf32, #tpu.memory_space<vmem>> -> memref<80x128xf32, #tpu.memory_space<vmem>>
      tpu.enqueue_dma source(%dma_start3A_171 : memref<80x128xf32, #tpu.memory_space<vmem>>) target(%dma_start3A_168 : memref<80x128xf32, #tpu.memory_space<vmem_shared>>) target_semaphore(%run_scoped3A : memref<!tpu.dma_semaphore, #tpu.memory_space<semaphore_mem>>)
      %dma_wait3A_172 = arith.constant 0 : i32
      %dma_wait3A_173 = arith.constant 0 : i32
      %dma_wait3A_174 = tpu.memref_slice %arg5[%dma_wait3A_172, %dma_wait3A_173] : memref<80x128xf32, #tpu.memory_space<vmem>> -> memref<80x128xf32, #tpu.memory_space<vmem>>
      %dma_wait3A_175 = arith.constant 0 : i32
      %dma_wait3A_176 = tpu.memref_slice %arg7[%add3A_28, %dma_wait3A_175] : memref<10000x128xf32, #tpu.memory_space<vmem_shared>> -> memref<80x128xf32, #tpu.memory_space<vmem_shared>>
      %dma_wait3A_177 = arith.constant 0 : i32
      %dma_wait3A_178 = tpu.memref_slice %arg7[%add3A_28, %dma_wait3A_177] : memref<10000x128xf32, #tpu.memory_space<vmem_shared>> -> memref<80x128xf32, #tpu.memory_space<vmem_shared>>
      %dma_wait3A_179 = arith.constant 0 : i32
      %dma_wait3A_180 = arith.constant 0 : i32
      %dma_wait3A_181 = tpu.memref_slice %arg5[%dma_wait3A_179, %dma_wait3A_180] : memref<80x128xf32, #tpu.memory_space<vmem>> -> memref<80x128xf32, #tpu.memory_space<vmem>>
      tpu.wait_dma2 semaphore(%run_scoped3A : memref<!tpu.dma_semaphore, #tpu.memory_space<semaphore_mem>>) src(%dma_wait3A_181 : memref<80x128xf32, #tpu.memory_space<vmem>>) dst(%dma_wait3A_178 : memref<80x128xf32, #tpu.memory_space<vmem_shared>>)
      tpu.yield
    }) : () -> ()
    %add3A_29 = arith.constant 320 : i32
    %add3A_30 = arith.addi %mul3A_20, %add3A_29 : i32
    "tpu.region"() ({
      %run_scoped3A = tpu.sem_alloc : memref<!tpu.dma_semaphore, #tpu.memory_space<semaphore_mem>>
      %dma_start3A_162 = arith.constant 0 : i32
      %dma_start3A_163 = arith.constant 0 : i32
      %dma_start3A_164 = tpu.memref_slice %arg5[%dma_start3A_162, %dma_start3A_163] : memref<80x128xf32, #tpu.memory_space<vmem>> -> memref<80x128xf32, #tpu.memory_space<vmem>>
      %dma_start3A_165 = arith.constant 0 : i32
      %dma_start3A_166 = tpu.memref_slice %arg7[%add3A_30, %dma_start3A_165] : memref<10000x128xf32, #tpu.memory_space<vmem_shared>> -> memref<80x128xf32, #tpu.memory_space<vmem_shared>>
      %dma_start3A_167 = arith.constant 0 : i32
      %dma_start3A_168 = tpu.memref_slice %arg7[%add3A_30, %dma_start3A_167] : memref<10000x128xf32, #tpu.memory_space<vmem_shared>> -> memref<80x128xf32, #tpu.memory_space<vmem_shared>>
      %dma_start3A_169 = arith.constant 0 : i32
      %dma_start3A_170 = arith.constant 0 : i32
      %dma_start3A_171 = tpu.memref_slice %arg5[%dma_start3A_169, %dma_start3A_170] : memref<80x128xf32, #tpu.memory_space<vmem>> -> memref<80x128xf32, #tpu.memory_space<vmem>>
      tpu.enqueue_dma source(%dma_start3A_171 : memref<80x128xf32, #tpu.memory_space<vmem>>) target(%dma_start3A_168 : memref<80x128xf32, #tpu.memory_space<vmem_shared>>) target_semaphore(%run_scoped3A : memref<!tpu.dma_semaphore, #tpu.memory_space<semaphore_mem>>)
      %dma_wait3A_172 = arith.constant 0 : i32
      %dma_wait3A_173 = arith.constant 0 : i32
      %dma_wait3A_174 = tpu.memref_slice %arg5[%dma_wait3A_172, %dma_wait3A_173] : memref<80x128xf32, #tpu.memory_space<vmem>> -> memref<80x128xf32, #tpu.memory_space<vmem>>
      %dma_wait3A_175 = arith.constant 0 : i32
      %dma_wait3A_176 = tpu.memref_slice %arg7[%add3A_30, %dma_wait3A_175] : memref<10000x128xf32, #tpu.memory_space<vmem_shared>> -> memref<80x128xf32, #tpu.memory_space<vmem_shared>>
      %dma_wait3A_177 = arith.constant 0 : i32
      %dma_wait3A_178 = tpu.memref_slice %arg7[%add3A_30, %dma_wait3A_177] : memref<10000x128xf32, #tpu.memory_space<vmem_shared>> -> memref<80x128xf32, #tpu.memory_space<vmem_shared>>
      %dma_wait3A_179 = arith.constant 0 : i32
      %dma_wait3A_180 = arith.constant 0 : i32
      %dma_wait3A_181 = tpu.memref_slice %arg5[%dma_wait3A_179, %dma_wait3A_180] : memref<80x128xf32, #tpu.memory_space<vmem>> -> memref<80x128xf32, #tpu.memory_space<vmem>>
      tpu.wait_dma2 semaphore(%run_scoped3A : memref<!tpu.dma_semaphore, #tpu.memory_space<semaphore_mem>>) src(%dma_wait3A_181 : memref<80x128xf32, #tpu.memory_space<vmem>>) dst(%dma_wait3A_178 : memref<80x128xf32, #tpu.memory_space<vmem_shared>>)
      tpu.yield
    }) : () -> ()
    %add3A_31 = arith.constant 400 : i32
    %add3A_32 = arith.addi %mul3A_20, %add3A_31 : i32
    "tpu.region"() ({
      %run_scoped3A = tpu.sem_alloc : memref<!tpu.dma_semaphore, #tpu.memory_space<semaphore_mem>>
      %dma_start3A_162 = arith.constant 0 : i32
      %dma_start3A_163 = arith.constant 0 : i32
      %dma_start3A_164 = tpu.memref_slice %arg5[%dma_start3A_162, %dma_start3A_163] : memref<80x128xf32, #tpu.memory_space<vmem>> -> memref<80x128xf32, #tpu.memory_space<vmem>>
      %dma_start3A_165 = arith.constant 0 : i32
      %dma_start3A_166 = tpu.memref_slice %arg7[%add3A_32, %dma_start3A_165] : memref<10000x128xf32, #tpu.memory_space<vmem_shared>> -> memref<80x128xf32, #tpu.memory_space<vmem_shared>>
      %dma_start3A_167 = arith.constant 0 : i32
      %dma_start3A_168 = tpu.memref_slice %arg7[%add3A_32, %dma_start3A_167] : memref<10000x128xf32, #tpu.memory_space<vmem_shared>> -> memref<80x128xf32, #tpu.memory_space<vmem_shared>>
      %dma_start3A_169 = arith.constant 0 : i32
      %dma_start3A_170 = arith.constant 0 : i32
      %dma_start3A_171 = tpu.memref_slice %arg5[%dma_start3A_169, %dma_start3A_170] : memref<80x128xf32, #tpu.memory_space<vmem>> -> memref<80x128xf32, #tpu.memory_space<vmem>>
      tpu.enqueue_dma source(%dma_start3A_171 : memref<80x128xf32, #tpu.memory_space<vmem>>) target(%dma_start3A_168 : memref<80x128xf32, #tpu.memory_space<vmem_shared>>) target_semaphore(%run_scoped3A : memref<!tpu.dma_semaphore, #tpu.memory_space<semaphore_mem>>)
      %dma_wait3A_172 = arith.constant 0 : i32
      %dma_wait3A_173 = arith.constant 0 : i32
      %dma_wait3A_174 = tpu.memref_slice %arg5[%dma_wait3A_172, %dma_wait3A_173] : memref<80x128xf32, #tpu.memory_space<vmem>> -> memref<80x128xf32, #tpu.memory_space<vmem>>
      %dma_wait3A_175 = arith.constant 0 : i32
      %dma_wait3A_176 = tpu.memref_slice %arg7[%add3A_32, %dma_wait3A_175] : memref<10000x128xf32, #tpu.memory_space<vmem_shared>> -> memref<80x128xf32, #tpu.memory_space<vmem_shared>>
      %dma_wait3A_177 = arith.constant 0 : i32
      %dma_wait3A_178 = tpu.memref_slice %arg7[%add3A_32, %dma_wait3A_177] : memref<10000x128xf32, #tpu.memory_space<vmem_shared>> -> memref<80x128xf32, #tpu.memory_space<vmem_shared>>
      %dma_wait3A_179 = arith.constant 0 : i32
      %dma_wait3A_180 = arith.constant 0 : i32
      %dma_wait3A_181 = tpu.memref_slice %arg5[%dma_wait3A_179, %dma_wait3A_180] : memref<80x128xf32, #tpu.memory_space<vmem>> -> memref<80x128xf32, #tpu.memory_space<vmem>>
      tpu.wait_dma2 semaphore(%run_scoped3A : memref<!tpu.dma_semaphore, #tpu.memory_space<semaphore_mem>>) src(%dma_wait3A_181 : memref<80x128xf32, #tpu.memory_space<vmem>>) dst(%dma_wait3A_178 : memref<80x128xf32, #tpu.memory_space<vmem_shared>>)
      tpu.yield
    }) : () -> ()
    %add3A_33 = arith.constant 480 : i32
    %add3A_34 = arith.addi %mul3A_20, %add3A_33 : i32
    "tpu.region"() ({
      %run_scoped3A = tpu.sem_alloc : memref<!tpu.dma_semaphore, #tpu.memory_space<semaphore_mem>>
      %dma_start3A_162 = arith.constant 0 : i32
      %dma_start3A_163 = arith.constant 0 : i32
      %dma_start3A_164 = tpu.memref_slice %arg5[%dma_start3A_162, %dma_start3A_163] : memref<80x128xf32, #tpu.memory_space<vmem>> -> memref<80x128xf32, #tpu.memory_space<vmem>>
      %dma_start3A_165 = arith.constant 0 : i32
      %dma_start3A_166 = tpu.memref_slice %arg7[%add3A_34, %dma_start3A_165] : memref<10000x128xf32, #tpu.memory_space<vmem_shared>> -> memref<80x128xf32, #tpu.memory_space<vmem_shared>>
      %dma_start3A_167 = arith.constant 0 : i32
      %dma_start3A_168 = tpu.memref_slice %arg7[%add3A_34, %dma_start3A_167] : memref<10000x128xf32, #tpu.memory_space<vmem_shared>> -> memref<80x128xf32, #tpu.memory_space<vmem_shared>>
      %dma_start3A_169 = arith.constant 0 : i32
      %dma_start3A_170 = arith.constant 0 : i32
      %dma_start3A_171 = tpu.memref_slice %arg5[%dma_start3A_169, %dma_start3A_170] : memref<80x128xf32, #tpu.memory_space<vmem>> -> memref<80x128xf32, #tpu.memory_space<vmem>>
      tpu.enqueue_dma source(%dma_start3A_171 : memref<80x128xf32, #tpu.memory_space<vmem>>) target(%dma_start3A_168 : memref<80x128xf32, #tpu.memory_space<vmem_shared>>) target_semaphore(%run_scoped3A : memref<!tpu.dma_semaphore, #tpu.memory_space<semaphore_mem>>)
      %dma_wait3A_172 = arith.constant 0 : i32
      %dma_wait3A_173 = arith.constant 0 : i32
      %dma_wait3A_174 = tpu.memref_slice %arg5[%dma_wait3A_172, %dma_wait3A_173] : memref<80x128xf32, #tpu.memory_space<vmem>> -> memref<80x128xf32, #tpu.memory_space<vmem>>
      %dma_wait3A_175 = arith.constant 0 : i32
      %dma_wait3A_176 = tpu.memref_slice %arg7[%add3A_34, %dma_wait3A_175] : memref<10000x128xf32, #tpu.memory_space<vmem_shared>> -> memref<80x128xf32, #tpu.memory_space<vmem_shared>>
      %dma_wait3A_177 = arith.constant 0 : i32
      %dma_wait3A_178 = tpu.memref_slice %arg7[%add3A_34, %dma_wait3A_177] : memref<10000x128xf32, #tpu.memory_space<vmem_shared>> -> memref<80x128xf32, #tpu.memory_space<vmem_shared>>
      %dma_wait3A_179 = arith.constant 0 : i32
      %dma_wait3A_180 = arith.constant 0 : i32
      %dma_wait3A_181 = tpu.memref_slice %arg5[%dma_wait3A_179, %dma_wait3A_180] : memref<80x128xf32, #tpu.memory_space<vmem>> -> memref<80x128xf32, #tpu.memory_space<vmem>>
      tpu.wait_dma2 semaphore(%run_scoped3A : memref<!tpu.dma_semaphore, #tpu.memory_space<semaphore_mem>>) src(%dma_wait3A_181 : memref<80x128xf32, #tpu.memory_space<vmem>>) dst(%dma_wait3A_178 : memref<80x128xf32, #tpu.memory_space<vmem_shared>>)
      tpu.yield
    }) : () -> ()
    %add3A_35 = arith.constant 560 : i32
    %add3A_36 = arith.addi %mul3A_20, %add3A_35 : i32
    "tpu.region"() ({
      %run_scoped3A = tpu.sem_alloc : memref<!tpu.dma_semaphore, #tpu.memory_space<semaphore_mem>>
      %dma_start3A_162 = arith.constant 0 : i32
      %dma_start3A_163 = arith.constant 0 : i32
      %dma_start3A_164 = tpu.memref_slice %arg5[%dma_start3A_162, %dma_start3A_163] : memref<80x128xf32, #tpu.memory_space<vmem>> -> memref<64x128xf32, #tpu.memory_space<vmem>>
      %dma_start3A_165 = arith.constant 0 : i32
      %dma_start3A_166 = tpu.memref_slice %arg7[%add3A_36, %dma_start3A_165] : memref<10000x128xf32, #tpu.memory_space<vmem_shared>> -> memref<64x128xf32, #tpu.memory_space<vmem_shared>>
      %dma_start3A_167 = arith.constant 0 : i32
      %dma_start3A_168 = tpu.memref_slice %arg7[%add3A_36, %dma_start3A_167] : memref<10000x128xf32, #tpu.memory_space<vmem_shared>> -> memref<64x128xf32, #tpu.memory_space<vmem_shared>>
      %dma_start3A_169 = arith.constant 0 : i32
      %dma_start3A_170 = arith.constant 0 : i32
      %dma_start3A_171 = tpu.memref_slice %arg5[%dma_start3A_169, %dma_start3A_170] : memref<80x128xf32, #tpu.memory_space<vmem>> -> memref<64x128xf32, #tpu.memory_space<vmem>>
      tpu.enqueue_dma source(%dma_start3A_171 : memref<64x128xf32, #tpu.memory_space<vmem>>) target(%dma_start3A_168 : memref<64x128xf32, #tpu.memory_space<vmem_shared>>) target_semaphore(%run_scoped3A : memref<!tpu.dma_semaphore, #tpu.memory_space<semaphore_mem>>)
      %dma_wait3A_172 = arith.constant 0 : i32
      %dma_wait3A_173 = arith.constant 0 : i32
      %dma_wait3A_174 = tpu.memref_slice %arg5[%dma_wait3A_172, %dma_wait3A_173] : memref<80x128xf32, #tpu.memory_space<vmem>> -> memref<64x128xf32, #tpu.memory_space<vmem>>
      %dma_wait3A_175 = arith.constant 0 : i32
      %dma_wait3A_176 = tpu.memref_slice %arg7[%add3A_36, %dma_wait3A_175] : memref<10000x128xf32, #tpu.memory_space<vmem_shared>> -> memref<64x128xf32, #tpu.memory_space<vmem_shared>>
      %dma_wait3A_177 = arith.constant 0 : i32
      %dma_wait3A_178 = tpu.memref_slice %arg7[%add3A_36, %dma_wait3A_177] : memref<10000x128xf32, #tpu.memory_space<vmem_shared>> -> memref<64x128xf32, #tpu.memory_space<vmem_shared>>
      %dma_wait3A_179 = arith.constant 0 : i32
      %dma_wait3A_180 = arith.constant 0 : i32
      %dma_wait3A_181 = tpu.memref_slice %arg5[%dma_wait3A_179, %dma_wait3A_180] : memref<80x128xf32, #tpu.memory_space<vmem>> -> memref<64x128xf32, #tpu.memory_space<vmem>>
      tpu.wait_dma2 semaphore(%run_scoped3A : memref<!tpu.dma_semaphore, #tpu.memory_space<semaphore_mem>>) src(%dma_wait3A_181 : memref<64x128xf32, #tpu.memory_space<vmem>>) dst(%dma_wait3A_178 : memref<64x128xf32, #tpu.memory_space<vmem_shared>>)
      tpu.yield
    }) : () -> ()
    %eq3A = arith.constant 15 : i32
    %eq3A_37 = arith.cmpi eq, %arg1, %eq3A : i32
    %convert_element_type3A = arith.extui %eq3A_37 : i1 to i32
    %cond3A = arith.constant 0 : i32
    %cond3A_38 = arith.cmpi ne, %convert_element_type3A, %cond3A : i32
    scf.if %cond3A_38 {
      "tpu.region"() ({
        %run_scoped3A = tpu.sem_alloc : memref<!tpu.dma_semaphore, #tpu.memory_space<semaphore_mem>>
        %dma_start3A_162 = arith.constant 0 : i32
        %dma_start3A_163 = arith.constant 0 : i32
        %dma_start3A_164 = tpu.memref_slice %arg5[%dma_start3A_162, %dma_start3A_163] : memref<80x128xf32, #tpu.memory_space<vmem>> -> memref<16x128xf32, #tpu.memory_space<vmem>>
        %dma_start3A_165 = arith.constant 9984 : i32
        %dma_start3A_166 = arith.constant 0 : i32
        %dma_start3A_167 = tpu.memref_slice %arg7[%dma_start3A_165, %dma_start3A_166] : memref<10000x128xf32, #tpu.memory_space<vmem_shared>> -> memref<16x128xf32, #tpu.memory_space<vmem_shared>>
        %dma_start3A_168 = arith.constant 9984 : i32
        %dma_start3A_169 = arith.constant 0 : i32
        %dma_start3A_170 = tpu.memref_slice %arg7[%dma_start3A_168, %dma_start3A_169] : memref<10000x128xf32, #tpu.memory_space<vmem_shared>> -> memref<16x128xf32, #tpu.memory_space<vmem_shared>>
        %dma_start3A_171 = arith.constant 0 : i32
        %dma_start3A_172 = arith.constant 0 : i32
        %dma_start3A_173 = tpu.memref_slice %arg5[%dma_start3A_171, %dma_start3A_172] : memref<80x128xf32, #tpu.memory_space<vmem>> -> memref<16x128xf32, #tpu.memory_space<vmem>>
        tpu.enqueue_dma source(%dma_start3A_173 : memref<16x128xf32, #tpu.memory_space<vmem>>) target(%dma_start3A_170 : memref<16x128xf32, #tpu.memory_space<vmem_shared>>) target_semaphore(%run_scoped3A : memref<!tpu.dma_semaphore, #tpu.memory_space<semaphore_mem>>)
        %dma_wait3A_174 = arith.constant 0 : i32
        %dma_wait3A_175 = arith.constant 0 : i32
        %dma_wait3A_176 = tpu.memref_slice %arg5[%dma_wait3A_174, %dma_wait3A_175] : memref<80x128xf32, #tpu.memory_space<vmem>> -> memref<16x128xf32, #tpu.memory_space<vmem>>
        %dma_wait3A_177 = arith.constant 9984 : i32
        %dma_wait3A_178 = arith.constant 0 : i32
        %dma_wait3A_179 = tpu.memref_slice %arg7[%dma_wait3A_177, %dma_wait3A_178] : memref<10000x128xf32, #tpu.memory_space<vmem_shared>> -> memref<16x128xf32, #tpu.memory_space<vmem_shared>>
        %dma_wait3A_180 = arith.constant 9984 : i32
        %dma_wait3A_181 = arith.constant 0 : i32
        %dma_wait3A_182 = tpu.memref_slice %arg7[%dma_wait3A_180, %dma_wait3A_181] : memref<10000x128xf32, #tpu.memory_space<vmem_shared>> -> memref<16x128xf32, #tpu.memory_space<vmem_shared>>
        %dma_wait3A_183 = arith.constant 0 : i32
        %dma_wait3A_184 = arith.constant 0 : i32
        %dma_wait3A_185 = tpu.memref_slice %arg5[%dma_wait3A_183, %dma_wait3A_184] : memref<80x128xf32, #tpu.memory_space<vmem>> -> memref<16x128xf32, #tpu.memory_space<vmem>>
        tpu.wait_dma2 semaphore(%run_scoped3A : memref<!tpu.dma_semaphore, #tpu.memory_space<semaphore_mem>>) src(%dma_wait3A_185 : memref<16x128xf32, #tpu.memory_space<vmem>>) dst(%dma_wait3A_182 : memref<16x128xf32, #tpu.memory_space<vmem_shared>>)
        tpu.yield
      }) : () -> ()
    } else {
    }
    %barrier3A = arith.constant 0 : index
    tpu.barrier barrier_id(%barrier3A)
    %mul3A_39 = arith.constant 0 : i32
    %mul3A_40 = arith.constant 80 : i32
    %mul3A_41 = arith.muli %mul3A_39, %mul3A_40 : i32
    %add3A_42 = arith.addi %add3A, %mul3A_41 : i32
    %rem3A = arith.constant 0 : i32
    %rem3A_43 = arith.constant 8 : i32
    %rem3A_44 = arith.remsi %rem3A, %rem3A_43 : i32
    %mul3A_45 = arith.constant 80 : i32
    %mul3A_46 = arith.muli %rem3A_44, %mul3A_45 : i32
    %rem3A_47 = arith.constant 0 : i32
    %rem3A_48 = arith.constant 8 : i32
    %rem3A_49 = arith.remsi %rem3A_47, %rem3A_48 : i32
    %dma_start3A = tpu.memref_slice %arg6[%mul3A_46] : memref<640xi32, #tpu.memory_space<vmem>> -> memref<80xi32, #tpu.memory_space<vmem>>
    %dma_start3A_50 = tpu.memref_slice %arg2[%add3A_42] : memref<320000xi32, #tpu.memory_space<hbm>> -> memref<80xi32, #tpu.memory_space<hbm>>
    %dma_start3A_51 = tpu.memref_slice %arg8[%rem3A_49] : memref<8x!tpu.dma_semaphore, #tpu.memory_space<semaphore_mem>> -> memref<1x!tpu.dma_semaphore, #tpu.memory_space<semaphore_mem>>
    %dma_start3A_52 = tpu.memref_squeeze %dma_start3A_51 : memref<1x!tpu.dma_semaphore, #tpu.memory_space<semaphore_mem>> -> memref<!tpu.dma_semaphore, #tpu.memory_space<semaphore_mem>>
    %dma_start3A_53 = tpu.memref_slice %arg6[%mul3A_46] : memref<640xi32, #tpu.memory_space<vmem>> -> memref<80xi32, #tpu.memory_space<vmem>>
    %dma_start3A_54 = tpu.memref_slice %arg2[%add3A_42] : memref<320000xi32, #tpu.memory_space<hbm>> -> memref<80xi32, #tpu.memory_space<hbm>>
    tpu.enqueue_dma source(%dma_start3A_54 : memref<80xi32, #tpu.memory_space<hbm>>) target(%dma_start3A_53 : memref<80xi32, #tpu.memory_space<vmem>>) target_semaphore(%dma_start3A_52 : memref<!tpu.dma_semaphore, #tpu.memory_space<semaphore_mem>>)
    %mul3A_55 = arith.constant 1 : i32
    %mul3A_56 = arith.constant 80 : i32
    %mul3A_57 = arith.muli %mul3A_55, %mul3A_56 : i32
    %add3A_58 = arith.addi %add3A, %mul3A_57 : i32
    %rem3A_59 = arith.constant 1 : i32
    %rem3A_60 = arith.constant 8 : i32
    %rem3A_61 = arith.remsi %rem3A_59, %rem3A_60 : i32
    %mul3A_62 = arith.constant 80 : i32
    %mul3A_63 = arith.muli %rem3A_61, %mul3A_62 : i32
    %rem3A_64 = arith.constant 1 : i32
    %rem3A_65 = arith.constant 8 : i32
    %rem3A_66 = arith.remsi %rem3A_64, %rem3A_65 : i32
    %dma_start3A_67 = tpu.memref_slice %arg6[%mul3A_63] : memref<640xi32, #tpu.memory_space<vmem>> -> memref<80xi32, #tpu.memory_space<vmem>>
    %dma_start3A_68 = tpu.memref_slice %arg2[%add3A_58] : memref<320000xi32, #tpu.memory_space<hbm>> -> memref<80xi32, #tpu.memory_space<hbm>>
    %dma_start3A_69 = tpu.memref_slice %arg8[%rem3A_66] : memref<8x!tpu.dma_semaphore, #tpu.memory_space<semaphore_mem>> -> memref<1x!tpu.dma_semaphore, #tpu.memory_space<semaphore_mem>>
    %dma_start3A_70 = tpu.memref_squeeze %dma_start3A_69 : memref<1x!tpu.dma_semaphore, #tpu.memory_space<semaphore_mem>> -> memref<!tpu.dma_semaphore, #tpu.memory_space<semaphore_mem>>
    %dma_start3A_71 = tpu.memref_slice %arg6[%mul3A_63] : memref<640xi32, #tpu.memory_space<vmem>> -> memref<80xi32, #tpu.memory_space<vmem>>
    %dma_start3A_72 = tpu.memref_slice %arg2[%add3A_58] : memref<320000xi32, #tpu.memory_space<hbm>> -> memref<80xi32, #tpu.memory_space<hbm>>
    tpu.enqueue_dma source(%dma_start3A_72 : memref<80xi32, #tpu.memory_space<hbm>>) target(%dma_start3A_71 : memref<80xi32, #tpu.memory_space<vmem>>) target_semaphore(%dma_start3A_70 : memref<!tpu.dma_semaphore, #tpu.memory_space<semaphore_mem>>)
    %mul3A_73 = arith.constant 2 : i32
    %mul3A_74 = arith.constant 80 : i32
    %mul3A_75 = arith.muli %mul3A_73, %mul3A_74 : i32
    %add3A_76 = arith.addi %add3A, %mul3A_75 : i32
    %rem3A_77 = arith.constant 2 : i32
    %rem3A_78 = arith.constant 8 : i32
    %rem3A_79 = arith.remsi %rem3A_77, %rem3A_78 : i32
    %mul3A_80 = arith.constant 80 : i32
    %mul3A_81 = arith.muli %rem3A_79, %mul3A_80 : i32
    %rem3A_82 = arith.constant 2 : i32
    %rem3A_83 = arith.constant 8 : i32
    %rem3A_84 = arith.remsi %rem3A_82, %rem3A_83 : i32
    %dma_start3A_85 = tpu.memref_slice %arg6[%mul3A_81] : memref<640xi32, #tpu.memory_space<vmem>> -> memref<80xi32, #tpu.memory_space<vmem>>
    %dma_start3A_86 = tpu.memref_slice %arg2[%add3A_76] : memref<320000xi32, #tpu.memory_space<hbm>> -> memref<80xi32, #tpu.memory_space<hbm>>
    %dma_start3A_87 = tpu.memref_slice %arg8[%rem3A_84] : memref<8x!tpu.dma_semaphore, #tpu.memory_space<semaphore_mem>> -> memref<1x!tpu.dma_semaphore, #tpu.memory_space<semaphore_mem>>
    %dma_start3A_88 = tpu.memref_squeeze %dma_start3A_87 : memref<1x!tpu.dma_semaphore, #tpu.memory_space<semaphore_mem>> -> memref<!tpu.dma_semaphore, #tpu.memory_space<semaphore_mem>>
    %dma_start3A_89 = tpu.memref_slice %arg6[%mul3A_81] : memref<640xi32, #tpu.memory_space<vmem>> -> memref<80xi32, #tpu.memory_space<vmem>>
    %dma_start3A_90 = tpu.memref_slice %arg2[%add3A_76] : memref<320000xi32, #tpu.memory_space<hbm>> -> memref<80xi32, #tpu.memory_space<hbm>>
    tpu.enqueue_dma source(%dma_start3A_90 : memref<80xi32, #tpu.memory_space<hbm>>) target(%dma_start3A_89 : memref<80xi32, #tpu.memory_space<vmem>>) target_semaphore(%dma_start3A_88 : memref<!tpu.dma_semaphore, #tpu.memory_space<semaphore_mem>>)
    %scan3A_91 = arith.constant 0 : i32
    %scan3A_92 = arith.constant 0 : i32
    %scan3A_93 = arith.constant 125 : i32
    %scan3A_94 = arith.addi %scan3A_92, %scan3A_93 : i32
    %scan3A_95 = arith.constant 1 : i32
    %scan3A_96 = scf.for %scan3A_162 = %scan3A_92 to %scan3A_94 step %scan3A_95 iter_args(%scan3A_163 = %scan3A_91) -> (i32)  : i32 {
      %rem3A_164 = arith.constant 8 : i32
      %rem3A_165 = arith.remsi %scan3A_162, %rem3A_164 : i32
      %mul3A_166 = arith.constant 80 : i32
      %mul3A_167 = arith.muli %rem3A_165, %mul3A_166 : i32
      %rem3A_168 = arith.constant 8 : i32
      %rem3A_169 = arith.remsi %scan3A_162, %rem3A_168 : i32
      %dma_wait3A_170 = tpu.memref_slice %arg6[%mul3A_167] : memref<640xi32, #tpu.memory_space<vmem>> -> memref<80xi32, #tpu.memory_space<vmem>>
      %dma_wait3A_171 = tpu.memref_slice %arg2[%add3A] : memref<320000xi32, #tpu.memory_space<hbm>> -> memref<80xi32, #tpu.memory_space<hbm>>
      %dma_wait3A_172 = tpu.memref_slice %arg8[%rem3A_169] : memref<8x!tpu.dma_semaphore, #tpu.memory_space<semaphore_mem>> -> memref<1x!tpu.dma_semaphore, #tpu.memory_space<semaphore_mem>>
      %dma_wait3A_173 = tpu.memref_squeeze %dma_wait3A_172 : memref<1x!tpu.dma_semaphore, #tpu.memory_space<semaphore_mem>> -> memref<!tpu.dma_semaphore, #tpu.memory_space<semaphore_mem>>
      %dma_wait3A_174 = tpu.memref_slice %arg6[%mul3A_167] : memref<640xi32, #tpu.memory_space<vmem>> -> memref<80xi32, #tpu.memory_space<vmem>>
      %dma_wait3A_175 = tpu.memref_slice %arg2[%add3A] : memref<320000xi32, #tpu.memory_space<hbm>> -> memref<80xi32, #tpu.memory_space<hbm>>
      tpu.wait_dma2 semaphore(%dma_wait3A_173 : memref<!tpu.dma_semaphore, #tpu.memory_space<semaphore_mem>>) src(%dma_wait3A_175 : memref<80xi32, #tpu.memory_space<hbm>>) dst(%dma_wait3A_174 : memref<80xi32, #tpu.memory_space<vmem>>)
      %ge3A = arith.constant 4 : i32
      %ge3A_176 = arith.cmpi sge, %scan3A_162, %ge3A : i32
      %convert_element_type3A_177 = arith.extui %ge3A_176 : i1 to i32
      %cond3A_178 = arith.constant 0 : i32
      %cond3A_179 = arith.cmpi ne, %convert_element_type3A_177, %cond3A_178 : i32
      scf.if %cond3A_179 {
        %sub3A = arith.constant 4 : i32
        %sub3A_199 = arith.subi %scan3A_162, %sub3A : i32
        %rem3A_200 = arith.constant 8 : i32
        %rem3A_201 = arith.remsi %sub3A_199, %rem3A_200 : i32
        %mul3A_202 = arith.constant 80 : i32
        %mul3A_203 = arith.muli %rem3A_201, %mul3A_202 : i32
        %rem3A_204 = arith.constant 4 : i32
        %rem3A_205 = arith.remsi %sub3A_199, %rem3A_204 : i32
        %dma_wait3A_206 = tpu.memref_slice %arg6[%mul3A_203] : memref<640xi32, #tpu.memory_space<vmem>> -> memref<80xi32, #tpu.memory_space<vmem>>
        %dma_wait3A_207 = arith.constant 0 : i32
        %dma_wait3A_208 = arith.constant 0 : i32
        %dma_wait3A_209 = tpu.memref_slice %arg7[%dma_wait3A_207, %dma_wait3A_208] : memref<10000x128xf32, #tpu.memory_space<vmem_shared>> -> memref<10000x128xf32, #tpu.memory_space<vmem_shared>>
        %dma_wait3A_210 = tpu.memref_slice %arg9[%rem3A_205] : memref<4x!tpu.dma_semaphore, #tpu.memory_space<semaphore_mem>> -> memref<1x!tpu.dma_semaphore, #tpu.memory_space<semaphore_mem>>
        %dma_wait3A_211 = tpu.memref_squeeze %dma_wait3A_210 : memref<1x!tpu.dma_semaphore, #tpu.memory_space<semaphore_mem>> -> memref<!tpu.dma_semaphore, #tpu.memory_space<semaphore_mem>>
        tpu.wait_indirect_dma semaphore(%dma_wait3A_211 : memref<!tpu.dma_semaphore, #tpu.memory_space<semaphore_mem>>) src(%arg4 : memref<80x128xf32, #tpu.memory_space<vmem>>) dst(%dma_wait3A_209 : memref<10000x128xf32, #tpu.memory_space<vmem_shared>>)
      } else {
      }
      %rem3A_180 = arith.constant 8 : i32
      %rem3A_181 = arith.remsi %scan3A_162, %rem3A_180 : i32
      %mul3A_182 = arith.constant 80 : i32
      %mul3A_183 = arith.muli %rem3A_181, %mul3A_182 : i32
      %rem3A_184 = arith.constant 4 : i32
      %rem3A_185 = arith.remsi %scan3A_162, %rem3A_184 : i32
      %dma_start3A_186 = tpu.memref_slice %arg6[%mul3A_183] : memref<640xi32, #tpu.memory_space<vmem>> -> memref<80xi32, #tpu.memory_space<vmem>>
      %dma_start3A_187 = arith.constant 0 : i32
      %dma_start3A_188 = arith.constant 0 : i32
      %dma_start3A_189 = tpu.memref_slice %arg7[%dma_start3A_187, %dma_start3A_188] : memref<10000x128xf32, #tpu.memory_space<vmem_shared>> -> memref<10000x128xf32, #tpu.memory_space<vmem_shared>>
      %dma_start3A_190 = tpu.memref_slice %arg9[%rem3A_185] : memref<4x!tpu.dma_semaphore, #tpu.memory_space<semaphore_mem>> -> memref<1x!tpu.dma_semaphore, #tpu.memory_space<semaphore_mem>>
      %dma_start3A_191 = tpu.memref_squeeze %dma_start3A_190 : memref<1x!tpu.dma_semaphore, #tpu.memory_space<semaphore_mem>> -> memref<!tpu.dma_semaphore, #tpu.memory_space<semaphore_mem>>
      tpu.enqueue_indirect_dma source(%arg4 : memref<80x128xf32, #tpu.memory_space<vmem>>) target(%dma_start3A_189 : memref<10000x128xf32, #tpu.memory_space<vmem_shared>>) offsets(%dma_start3A_186 : memref<80xi32, #tpu.memory_space<vmem>>) semaphore(%dma_start3A_191 : memref<!tpu.dma_semaphore, #tpu.memory_space<semaphore_mem>>) {add = true}
      %add3A_192 = arith.constant 3 : i32
      %add3A_193 = arith.addi %scan3A_162, %add3A_192 : i32
      %lt3A = arith.constant 125 : i32
      %lt3A_194 = arith.cmpi slt, %add3A_193, %lt3A : i32
      %convert_element_type3A_195 = arith.extui %lt3A_194 : i1 to i32
      %cond3A_196 = arith.constant 0 : i32
      %cond3A_197 = arith.cmpi ne, %convert_element_type3A_195, %cond3A_196 : i32
      scf.if %cond3A_197 {
        %add3A_199 = arith.constant 3 : i32
        %add3A_200 = arith.addi %scan3A_162, %add3A_199 : i32
        %mul3A_201 = arith.constant 80 : i32
        %mul3A_202 = arith.muli %add3A_200, %mul3A_201 : i32
        %add3A_203 = arith.addi %add3A, %mul3A_202 : i32
        %rem3A_204 = arith.constant 8 : i32
        %rem3A_205 = arith.remsi %add3A_200, %rem3A_204 : i32
        %mul3A_206 = arith.constant 80 : i32
        %mul3A_207 = arith.muli %rem3A_205, %mul3A_206 : i32
        %rem3A_208 = arith.constant 8 : i32
        %rem3A_209 = arith.remsi %add3A_200, %rem3A_208 : i32
        %dma_start3A_210 = tpu.memref_slice %arg6[%mul3A_207] : memref<640xi32, #tpu.memory_space<vmem>> -> memref<80xi32, #tpu.memory_space<vmem>>
        %dma_start3A_211 = tpu.memref_slice %arg2[%add3A_203] : memref<320000xi32, #tpu.memory_space<hbm>> -> memref<80xi32, #tpu.memory_space<hbm>>
        %dma_start3A_212 = tpu.memref_slice %arg8[%rem3A_209] : memref<8x!tpu.dma_semaphore, #tpu.memory_space<semaphore_mem>> -> memref<1x!tpu.dma_semaphore, #tpu.memory_space<semaphore_mem>>
        %dma_start3A_213 = tpu.memref_squeeze %dma_start3A_212 : memref<1x!tpu.dma_semaphore, #tpu.memory_space<semaphore_mem>> -> memref<!tpu.dma_semaphore, #tpu.memory_space<semaphore_mem>>
        %dma_start3A_214 = tpu.memref_slice %arg6[%mul3A_207] : memref<640xi32, #tpu.memory_space<vmem>> -> memref<80xi32, #tpu.memory_space<vmem>>
        %dma_start3A_215 = tpu.memref_slice %arg2[%add3A_203] : memref<320000xi32, #tpu.memory_space<hbm>> -> memref<80xi32, #tpu.memory_space<hbm>>
        tpu.enqueue_dma source(%dma_start3A_215 : memref<80xi32, #tpu.memory_space<hbm>>) target(%dma_start3A_214 : memref<80xi32, #tpu.memory_space<vmem>>) target_semaphore(%dma_start3A_213 : memref<!tpu.dma_semaphore, #tpu.memory_space<semaphore_mem>>)
      } else {
      }
      %scan3A_198 = arith.constant 0 : i32
      scf.yield %scan3A_198 : i32
    }
    %scan3A_97 = arith.constant 125 : i32
    %rem3A_98 = arith.constant 121 : i32
    %rem3A_99 = arith.constant 8 : i32
    %rem3A_100 = arith.remsi %rem3A_98, %rem3A_99 : i32
    %mul3A_101 = arith.constant 80 : i32
    %mul3A_102 = arith.muli %rem3A_100, %mul3A_101 : i32
    %rem3A_103 = arith.constant 121 : i32
    %rem3A_104 = arith.constant 4 : i32
    %rem3A_105 = arith.remsi %rem3A_103, %rem3A_104 : i32
    %dma_wait3A = tpu.memref_slice %arg6[%mul3A_102] : memref<640xi32, #tpu.memory_space<vmem>> -> memref<80xi32, #tpu.memory_space<vmem>>
    %dma_wait3A_106 = arith.constant 0 : i32
    %dma_wait3A_107 = arith.constant 0 : i32
    %dma_wait3A_108 = tpu.memref_slice %arg7[%dma_wait3A_106, %dma_wait3A_107] : memref<10000x128xf32, #tpu.memory_space<vmem_shared>> -> memref<10000x128xf32, #tpu.memory_space<vmem_shared>>
    %dma_wait3A_109 = tpu.memref_slice %arg9[%rem3A_105] : memref<4x!tpu.dma_semaphore, #tpu.memory_space<semaphore_mem>> -> memref<1x!tpu.dma_semaphore, #tpu.memory_space<semaphore_mem>>
    %dma_wait3A_110 = tpu.memref_squeeze %dma_wait3A_109 : memref<1x!tpu.dma_semaphore, #tpu.memory_space<semaphore_mem>> -> memref<!tpu.dma_semaphore, #tpu.memory_space<semaphore_mem>>
    tpu.wait_indirect_dma semaphore(%dma_wait3A_110 : memref<!tpu.dma_semaphore, #tpu.memory_space<semaphore_mem>>) src(%arg4 : memref<80x128xf32, #tpu.memory_space<vmem>>) dst(%dma_wait3A_108 : memref<10000x128xf32, #tpu.memory_space<vmem_shared>>)
    %rem3A_111 = arith.constant 122 : i32
    %rem3A_112 = arith.constant 8 : i32
    %rem3A_113 = arith.remsi %rem3A_111, %rem3A_112 : i32
    %mul3A_114 = arith.constant 80 : i32
    %mul3A_115 = arith.muli %rem3A_113, %mul3A_114 : i32
    %rem3A_116 = arith.constant 122 : i32
    %rem3A_117 = arith.constant 4 : i32
    %rem3A_118 = arith.remsi %rem3A_116, %rem3A_117 : i32
    %dma_wait3A_119 = tpu.memref_slice %arg6[%mul3A_115] : memref<640xi32, #tpu.memory_space<vmem>> -> memref<80xi32, #tpu.memory_space<vmem>>
    %dma_wait3A_120 = arith.constant 0 : i32
    %dma_wait3A_121 = arith.constant 0 : i32
    %dma_wait3A_122 = tpu.memref_slice %arg7[%dma_wait3A_120, %dma_wait3A_121] : memref<10000x128xf32, #tpu.memory_space<vmem_shared>> -> memref<10000x128xf32, #tpu.memory_space<vmem_shared>>
    %dma_wait3A_123 = tpu.memref_slice %arg9[%rem3A_118] : memref<4x!tpu.dma_semaphore, #tpu.memory_space<semaphore_mem>> -> memref<1x!tpu.dma_semaphore, #tpu.memory_space<semaphore_mem>>
    %dma_wait3A_124 = tpu.memref_squeeze %dma_wait3A_123 : memref<1x!tpu.dma_semaphore, #tpu.memory_space<semaphore_mem>> -> memref<!tpu.dma_semaphore, #tpu.memory_space<semaphore_mem>>
    tpu.wait_indirect_dma semaphore(%dma_wait3A_124 : memref<!tpu.dma_semaphore, #tpu.memory_space<semaphore_mem>>) src(%arg4 : memref<80x128xf32, #tpu.memory_space<vmem>>) dst(%dma_wait3A_122 : memref<10000x128xf32, #tpu.memory_space<vmem_shared>>)
    %rem3A_125 = arith.constant 123 : i32
    %rem3A_126 = arith.constant 8 : i32
    %rem3A_127 = arith.remsi %rem3A_125, %rem3A_126 : i32
    %mul3A_128 = arith.constant 80 : i32
    %mul3A_129 = arith.muli %rem3A_127, %mul3A_128 : i32
    %rem3A_130 = arith.constant 123 : i32
    %rem3A_131 = arith.constant 4 : i32
    %rem3A_132 = arith.remsi %rem3A_130, %rem3A_131 : i32
    %dma_wait3A_133 = tpu.memref_slice %arg6[%mul3A_129] : memref<640xi32, #tpu.memory_space<vmem>> -> memref<80xi32, #tpu.memory_space<vmem>>
    %dma_wait3A_134 = arith.constant 0 : i32
    %dma_wait3A_135 = arith.constant 0 : i32
    %dma_wait3A_136 = tpu.memref_slice %arg7[%dma_wait3A_134, %dma_wait3A_135] : memref<10000x128xf32, #tpu.memory_space<vmem_shared>> -> memref<10000x128xf32, #tpu.memory_space<vmem_shared>>
    %dma_wait3A_137 = tpu.memref_slice %arg9[%rem3A_132] : memref<4x!tpu.dma_semaphore, #tpu.memory_space<semaphore_mem>> -> memref<1x!tpu.dma_semaphore, #tpu.memory_space<semaphore_mem>>
    %dma_wait3A_138 = tpu.memref_squeeze %dma_wait3A_137 : memref<1x!tpu.dma_semaphore, #tpu.memory_space<semaphore_mem>> -> memref<!tpu.dma_semaphore, #tpu.memory_space<semaphore_mem>>
    tpu.wait_indirect_dma semaphore(%dma_wait3A_138 : memref<!tpu.dma_semaphore, #tpu.memory_space<semaphore_mem>>) src(%arg4 : memref<80x128xf32, #tpu.memory_space<vmem>>) dst(%dma_wait3A_136 : memref<10000x128xf32, #tpu.memory_space<vmem_shared>>)
    %rem3A_139 = arith.constant 124 : i32
    %rem3A_140 = arith.constant 8 : i32
    %rem3A_141 = arith.remsi %rem3A_139, %rem3A_140 : i32
    %mul3A_142 = arith.constant 80 : i32
    %mul3A_143 = arith.muli %rem3A_141, %mul3A_142 : i32
    %rem3A_144 = arith.constant 124 : i32
    %rem3A_145 = arith.constant 4 : i32
    %rem3A_146 = arith.remsi %rem3A_144, %rem3A_145 : i32
    %dma_wait3A_147 = tpu.memref_slice %arg6[%mul3A_143] : memref<640xi32, #tpu.memory_space<vmem>> -> memref<80xi32, #tpu.memory_space<vmem>>
    %dma_wait3A_148 = arith.constant 0 : i32
    %dma_wait3A_149 = arith.constant 0 : i32
    %dma_wait3A_150 = tpu.memref_slice %arg7[%dma_wait3A_148, %dma_wait3A_149] : memref<10000x128xf32, #tpu.memory_space<vmem_shared>> -> memref<10000x128xf32, #tpu.memory_space<vmem_shared>>
    %dma_wait3A_151 = tpu.memref_slice %arg9[%rem3A_146] : memref<4x!tpu.dma_semaphore, #tpu.memory_space<semaphore_mem>> -> memref<1x!tpu.dma_semaphore, #tpu.memory_space<semaphore_mem>>
    %dma_wait3A_152 = tpu.memref_squeeze %dma_wait3A_151 : memref<1x!tpu.dma_semaphore, #tpu.memory_space<semaphore_mem>> -> memref<!tpu.dma_semaphore, #tpu.memory_space<semaphore_mem>>
    tpu.wait_indirect_dma semaphore(%dma_wait3A_152 : memref<!tpu.dma_semaphore, #tpu.memory_space<semaphore_mem>>) src(%arg4 : memref<80x128xf32, #tpu.memory_space<vmem>>) dst(%dma_wait3A_150 : memref<10000x128xf32, #tpu.memory_space<vmem_shared>>)
    %barrier3A_153 = arith.constant 0 : index
    tpu.barrier barrier_id(%barrier3A_153)
    %mul3A_154 = arith.constant 10000 : i32
    %mul3A_155 = arith.muli %arg0, %mul3A_154 : i32
    %add3A_156 = arith.addi %mul3A_155, %mul3A_20 : i32
    "tpu.region"() ({
      %run_scoped3A = tpu.sem_alloc : memref<!tpu.dma_semaphore, #tpu.memory_space<semaphore_mem>>
      %dma_start3A_162 = arith.constant 0 : i32
      %dma_start3A_163 = tpu.memref_slice %arg3[%add3A_156, %dma_start3A_162] : memref<20000x128xf32, #tpu.memory_space<hbm>> -> memref<624x128xf32, #tpu.memory_space<hbm>>
      %dma_start3A_164 = arith.constant 0 : i32
      %dma_start3A_165 = tpu.memref_slice %arg7[%mul3A_20, %dma_start3A_164] : memref<10000x128xf32, #tpu.memory_space<vmem_shared>> -> memref<624x128xf32, #tpu.memory_space<vmem_shared>>
      tpu.enqueue_dma source(%dma_start3A_165 : memref<624x128xf32, #tpu.memory_space<vmem_shared>>) target(%dma_start3A_163 : memref<624x128xf32, #tpu.memory_space<hbm>>) target_semaphore(%run_scoped3A : memref<!tpu.dma_semaphore, #tpu.memory_space<semaphore_mem>>)
      %dma_wait3A_166 = arith.constant 0 : i32
      %dma_wait3A_167 = tpu.memref_slice %arg3[%add3A_156, %dma_wait3A_166] : memref<20000x128xf32, #tpu.memory_space<hbm>> -> memref<624x128xf32, #tpu.memory_space<hbm>>
      %dma_wait3A_168 = arith.constant 0 : i32
      %dma_wait3A_169 = tpu.memref_slice %arg7[%mul3A_20, %dma_wait3A_168] : memref<10000x128xf32, #tpu.memory_space<vmem_shared>> -> memref<624x128xf32, #tpu.memory_space<vmem_shared>>
      tpu.wait_dma2 semaphore(%run_scoped3A : memref<!tpu.dma_semaphore, #tpu.memory_space<semaphore_mem>>) src(%dma_wait3A_169 : memref<624x128xf32, #tpu.memory_space<vmem_shared>>) dst(%dma_wait3A_167 : memref<624x128xf32, #tpu.memory_space<hbm>>)
      tpu.yield
    }) : () -> ()
    %eq3A_157 = arith.constant 15 : i32
    %eq3A_158 = arith.cmpi eq, %arg1, %eq3A_157 : i32
    %convert_element_type3A_159 = arith.extui %eq3A_158 : i1 to i32
    %cond3A_160 = arith.constant 0 : i32
    %cond3A_161 = arith.cmpi ne, %convert_element_type3A_159, %cond3A_160 : i32
    scf.if %cond3A_161 {
      %mul3A_162 = arith.constant 10000 : i32
      %mul3A_163 = arith.muli %arg0, %mul3A_162 : i32
      %add3A_164 = arith.constant 9984 : i32
      %add3A_165 = arith.addi %mul3A_163, %add3A_164 : i32
      "tpu.region"() ({
        %run_scoped3A = tpu.sem_alloc : memref<!tpu.dma_semaphore, #tpu.memory_space<semaphore_mem>>
        %dma_start3A_166 = arith.constant 0 : i32
        %dma_start3A_167 = tpu.memref_slice %arg3[%add3A_165, %dma_start3A_166] : memref<20000x128xf32, #tpu.memory_space<hbm>> -> memref<16x128xf32, #tpu.memory_space<hbm>>
        %dma_start3A_168 = arith.constant 9984 : i32
        %dma_start3A_169 = arith.constant 0 : i32
        %dma_start3A_170 = tpu.memref_slice %arg7[%dma_start3A_168, %dma_start3A_169] : memref<10000x128xf32, #tpu.memory_space<vmem_shared>> -> memref<16x128xf32, #tpu.memory_space<vmem_shared>>
        tpu.enqueue_dma source(%dma_start3A_170 : memref<16x128xf32, #tpu.memory_space<vmem_shared>>) target(%dma_start3A_167 : memref<16x128xf32, #tpu.memory_space<hbm>>) target_semaphore(%run_scoped3A : memref<!tpu.dma_semaphore, #tpu.memory_space<semaphore_mem>>)
        %dma_wait3A_171 = arith.constant 0 : i32
        %dma_wait3A_172 = tpu.memref_slice %arg3[%add3A_165, %dma_wait3A_171] : memref<20000x128xf32, #tpu.memory_space<hbm>> -> memref<16x128xf32, #tpu.memory_space<hbm>>
        %dma_wait3A_173 = arith.constant 9984 : i32
        %dma_wait3A_174 = arith.constant 0 : i32
        %dma_wait3A_175 = tpu.memref_slice %arg7[%dma_wait3A_173, %dma_wait3A_174] : memref<10000x128xf32, #tpu.memory_space<vmem_shared>> -> memref<16x128xf32, #tpu.memory_space<vmem_shared>>
        tpu.wait_dma2 semaphore(%run_scoped3A : memref<!tpu.dma_semaphore, #tpu.memory_space<semaphore_mem>>) src(%dma_wait3A_175 : memref<16x128xf32, #tpu.memory_space<vmem_shared>>) dst(%dma_wait3A_172 : memref<16x128xf32, #tpu.memory_space<hbm>>)
        tpu.yield
      }) : () -> ()
    } else {
    }
    return
  }
}

</mosaic_0001>

<sc_bundles>
// kernel: _sc_deg.3.cloned.1.call-start
scs
__scs_entry_jumppad:
0x0: {  	(pc) =	sbr.rel $0x88, $3  }
0x1: {  	(tag) =	ssettag $0x0;
	lr =	simm.s32 $0x1  }
0x2: {  	[smem:$0x3FA0] =	sst lr;
	_ =	strace $0xD0000000  }
0x3: {  	_ = 	snop  }
0x4: {  	_ = 	snop  }
0x5: {  	_ = 	snop  }
0x6: {  	_ = 	snop  }
0x7: {  	_ = 	snop  }
__scs_overlays_trampoline_lowered:
0x8: {  	[smem:$0x3FAF] =	sst s0  }
0x9: {  	[smem:$0x3FB0] =	sst s1  }
0xa: {  	[smem:$0x3FB1] =	sst s2  }
0xb: {  	[smem:$0x3FB2] =	sst s3  }
0xc: {  	[smem:$0x3FB3] =	sst s4  }
0xd: {  	[smem:$0x3FB4] =	sst s5  }
0xe: {  	[smem:$0x3FB5] =	sst s6  }
0xf: {  	[smem:$0x3FB6] =	sst s7  }
0x10: {  	[smem:$0x3FB7] =	sst s8  }
0x11: {  	[smem:$0x3FB8] =	sst s9;
	s0 =	simm.s32 @!p0 $0x0  }
0x12: {  	s1 =	sld [smem:$0x3F9E];
	s0 =	simm.s32 @p0 $0x1  }
0x13: {  	[smem:$0x3FB9] =	sst s0;
	s0 =	simm.s32 @!p1 $0x0  }
0x14: {  	s2 =	sld [smem:$0x3F9D];
	s0 =	simm.s32 @p1 $0x1  }
0x15: {  	[smem:$0x3FBA] =	sst s0;
	s0 =	simm.s32 @!p2 $0x0  }
0x16: {  	s3 =	sld [smem:$0x3FDB];
	s0 =	simm.s32 @p2 $0x1  }
0x17: {  	s4 =	simm.s32 $0x1BF5;
	[smem:$0x3FBC] =	sst s0  }
0x18: {  	s0 =	sld [smem:$0x3F9F];
	_ =	swait.ge [sflag:s4], $0x0  }
0x19: {  	s7 =	sld [smem:$0x3FA0]  }
0x1a: {  	s8 =	sadd.s32 $0xFFFFE003, lr  }
0x1b: {  	s9 =	sadd.s32 $0xFFFFFEF7, lr;
	s5 =	simm.s32 $0xFFFFFFFF;
	p2 =	slt.u32 s8, $0xFFFFF086  }
0x1c: {  	p1 =	slt.u32 s9, $0xF7A;
	s5 =	simm.s32 @!p2 $0x0  }
0x1d: {  	s5 =	simm.s32 @p1 $0x1;
	p0 =	seq.s32 s7, s2  }
0x1e: {  	s7 =	smul.u32 @!p0 $0xF7A, s2;
	p2 =	seq.s32 @!p0 s5, $0x0  }
0x1f: {  	s9 =	smul.u32 $0xF7A, s1;
	s8 =	simm.s32 @!p0 $0x1BF5;
	p2 =	por !p2, p0  }
0x20: {  	[sflag:s8] =	ssyncset.s32 @!p0 $0xFFFFF086;
	s6 =	sadd.s32 @!p0 s3, s7;
	s7 =	simm.s32 @!p0 $0x108  }
0x21: {  	s3 =	sadd.s32 s3, s9;
	s6 =	sadd.s32 @!p0 $0x88, s6;
	s7 =	simm.s32 @p2 $0x1082  }
0x22: {  	[simem:s7], [sflag:s8] =	dma.local @!p0 [hbm:s6], $0xF7A  }
0x23: {  	s9 =	sor.u32 $0xD0000000, s2;
	s6 =	simm.s32 $0x108;
	_ =	swait.ge @!p0 [sflag:s8], $0x0  }
0x24: {  	s3 =	sadd.s32 $0x88, s3;
	s6 =	simm.s32 @!p1 $0x1082;
	[sflag:s4] =	ssyncset.s32 $0xFFFFF086  }
0x25: {  	[simem:s6], [sflag:s4] =	dma.local [hbm:s3], $0xF7A  }
0x26: {  	[smem:$0x3FA0] =	sst s1;
	(tag) =	ssettag s2;
	_ =	strace s9  }
0x27: {  	s1 =	sld [smem:$0x3FB0]  }
0x28: {  	s2 =	sld [smem:$0x3FB1]  }
0x29: {  	s4 =	sld [smem:$0x3FB3]  }
0x2a: {  	p0 =	seq.s32 s5, $0x0;
	s5 =	sld [smem:$0x3FB4]  }
0x2b: {  	s6 =	sld [smem:$0x3FB5]  }
0x2c: {  	s7 =	sld [smem:$0x3FB6]  }
0x2d: {  	s3 =	simm.s32 $0x108;
	s8 =	sld [smem:$0x3FB7]  }
0x2e: {  	s3 =	simm.s32 @!p0 $0x1082;
	s9 =	sld [smem:$0x3FB8]  }
0x2f: {  	lr =	sadd.s32 s0, s3;
	s0 =	sld [smem:$0x3FAF]  }
0x30: {  	s3 =	sld [smem:$0x3FB2]  }
0x31: {  	[smem:$0x3FBB] =	sst s10  }
0x32: {  	s10 =	sld [smem:$0x3FB9];
	_ =	sdelay $0x3  }
0x33: {  	p0 =	seq.s32 s10, $0x1;
	s10 =	sld [smem:$0x3FBB];
	_ =	sdelay $0x3  }
0x34: {  	[smem:$0x3FBB] =	sst s10  }
0x35: {  	s10 =	sld [smem:$0x3FBA];
	_ =	sdelay $0x3  }
0x36: {  	p1 =	seq.s32 s10, $0x1;
	s10 =	sld [smem:$0x3FBB];
	_ =	sdelay $0x3  }
0x37: {  	[smem:$0x3FBB] =	sst s10  }
0x38: {  	s10 =	sld [smem:$0x3FBC]  }
0x39: {  	_ = 	snop;
	(pc) =	sbr.ind lr, $3  }
0x3a: {  	_ = 	snop  }
0x3b: {  	_ = 	snop  }
0x3c: {  	p2 =	seq.s32 s10, $0x1;
	s10 =	sld [smem:$0x3FBB]  }
0x3d: {  	_ =	shalt  }
0x3e: {  	_ =	shalt  }
0x3f: {  	_ =	shalt  }
0x40: {  	_ =	shalt  }
0x41: {  	_ =	shalt  }
0x42: {  	_ =	shalt  }
0x43: {  	_ =	shalt  }
0x44: {  	_ =	shalt  }
0x45: {  	_ =	shalt  }
0x46: {  	_ =	shalt  }
0x47: {  	_ =	shalt  }
0x48: {  	_ =	shalt  }
0x49: {  	_ =	shalt  }
0x4a: {  	_ =	shalt  }
0x4b: {  	_ =	shalt  }
0x4c: {  	_ =	shalt  }
0x4d: {  	_ =	shalt  }
0x4e: {  	_ =	shalt  }
0x4f: {  	_ =	shalt  }
0x50: {  	_ =	shalt  }
0x51: {  	_ =	shalt  }
0x52: {  	_ =	shalt  }
0x53: {  	_ =	shalt  }
0x54: {  	_ =	shalt  }
0x55: {  	_ =	shalt  }
0x56: {  	_ =	shalt  }
0x57: {  	_ =	shalt  }
0x58: {  	_ =	shalt  }
0x59: {  	_ =	shalt  }
0x5a: {  	_ =	shalt  }
0x5b: {  	_ =	shalt  }
0x5c: {  	_ =	shalt  }
0x5d: {  	_ =	shalt  }
0x5e: {  	_ =	shalt  }
0x5f: {  	_ =	shalt  }
0x60: {  	_ =	shalt  }
0x61: {  	_ =	shalt  }
0x62: {  	_ =	shalt  }
0x63: {  	_ =	shalt  }
0x64: {  	_ =	shalt  }
0x65: {  	_ =	shalt  }
0x66: {  	_ =	shalt  }
0x67: {  	_ =	shalt  }
0x68: {  	_ =	shalt  }
0x69: {  	_ =	shalt  }
0x6a: {  	_ =	shalt  }
0x6b: {  	_ =	shalt  }
0x6c: {  	_ =	shalt  }
0x6d: {  	_ =	shalt  }
0x6e: {  	_ =	shalt  }
0x6f: {  	_ =	shalt  }
0x70: {  	_ =	shalt  }
0x71: {  	_ =	shalt  }
0x72: {  	_ =	shalt  }
0x73: {  	_ =	shalt  }
0x74: {  	_ =	shalt  }
0x75: {  	_ =	shalt  }
0x76: {  	_ =	shalt  }
0x77: {  	_ =	shalt  }
0x78: {  	_ =	shalt  }
0x79: {  	_ =	shalt  }
0x7a: {  	_ =	shalt  }
0x7b: {  	_ =	shalt  }
0x7c: {  	_ =	shalt  }
0x7d: {  	_ =	shalt  }
0x7e: {  	_ =	shalt  }
0x7f: {  	_ =	shalt  }
0x80: {  	_ =	shalt  }
0x81: {  	_ =	shalt  }
0x82: {  	_ =	shalt  }
0x83: {  	_ =	shalt  }
0x84: {  	_ =	shalt  }
0x85: {  	_ =	shalt  }
0x86: {  	_ =	shalt  }
0x87: {  	_ =	shalt  }
.Lfunc_end0:
.L_simem_size_0:
called_computation_lowered:
.L_overlay_start_0:
0x88: {  	s2 =	sld [smem:$0x3FD9]  }
0x89: {  	s3 =	sld [smem:$0x3FFE];
	_ =	sdelay $0x1  }
0x8a: {  	s1 =	srdreg.scid  }
0x8b: {  	s0 =	sand.u32 $0x1, s1  }
0x8c: {  	s18 =	sshll.u32 s0, $0xA;
	s2 =	sadd.s32 s3, s2  }
0x8d: {  	s2 =	sadd.s32 s2, s18  }
0x8e: {  	[smem:$0x3FC7] =	sst s2  }
0x8f: {  	_ = 	snop  }
0x90: {  	s2 =	sld [smem:$0x3FC9]  }
0x91: {  	s19 =	sld [smem:$0x3FD0];
	(tm) =	ssettm $0x1  }
0x92: {  	s4 =	sld [smem:$0x3FFB];
	_ =	sdelay $0x3  }
0x93: {  	_ =	strace s4  }
0x94: {  	s4 =	sld [smem:$0x3FFC];
	_ =	sdelay $0x3  }
0x95: {  	_ =	strace s4  }
0x96: {  	s4 =	sld [smem:$0x3FFD];
	_ =	sdelay $0x3  }
0x97: {  	_ =	strace s4  }
0x98: {  	_ =	strace $0x8FFFFFFF  }
0x99: {  	s20 =	sld [smem:$0x3FDB];
	_ =	sdelay $0x1  }
0x9a: {  	s5 =	simm.s32 $_scs_section_size  }
0x9b: {  	s6 =	simm.s32 $_size__tile_overlayer_lowered;
	s7 =	simm.s32 $_tile_overlayer_lowered  }
0x9c: {  	s23 =	simm.s32 $0x1BFF;
	s22 =	sshll.u32 s7, $0x1;
	s4 =	sadd.s32 s5, s20  }
0x9d: {  	s8 =	simm.s32 $0x0;
	s21 =	sshll.u32 s6, $0x1;
	s6 =	sadd.s32 s22, s4  }
0x9e: {  	[timem:s8], [sflag:s23] =	dma.local [hbm:s6], s21  }
0x9f: {  	_ =	swait.ge [sflag:s23], s21  }
0xa0: {  	s5 =	ssub.s32 $0x0, s21;
	[sflag:s23] =	ssyncset.done $0x0  }
0xa1: {  	[sflag:s23] =	ssyncadd.s32 s5;
	_ =	sdelay $0x1  }
0xa2: {  	s24 =	simm.s32 $0x1B8B  }
0xa3: {  	_ =	swait.ge [sflag:s24], $0x1  }
0xa4: {  	[sflag:s24] =	ssyncset.done $0x0  }
0xa5: {  	s25 =	simm.s32 $0x1B8E;
	[sflag:s24] =	ssyncadd.s32 $0xFFFFFFFF  }
0xa6: {  	s26 =	simm.s32 $execute0_lowered;
	[smem:$0x3FD2] =	sst s25  }
0xa7: {  	s5 =	sshll.u32 s26, $0x1;
	_ =	strace $0x80000046;
	[dreg:$0x1] =	wrdreg $0xFFFFFFFF  }
0xa8: {  	s28 =	simm.s32 $_size_execute0_lowered;
	s4 =	sadd.s32 s4, s5;
	[dreg:$0x0] =	wrdreg $0x0  }
0xa9: {  	s5 =	sshll.u32 s28, $0x1;
	[dreg:$0x2] =	wrdreg s4  }
0xaa: {  	[dreg:$0x3] =	wrdreg s5  }
0xab: {  	[dreg:$0x4] =	wrdreg $0xC0  }
0xac: {  	_ =	task [dreg:s8], $0x5FFFF  }
0xad: {  	[dreg:$0x1] =	wrdreg $0xFFFFFFFF  }
0xae: {  	[dreg:$0x0] =	wrdreg $0x60  }
0xaf: {  	[dreg:$0x2] =	wrdreg s2  }
0xb0: {  	[dreg:$0x3] =	wrdreg s19  }
0xb1: {  	[dreg:$0x4] =	wrdreg $0x52800  }
0xb2: {  	[dreg:$0x5] =	wrdreg $0x9  }
0xb3: {  	_ =	task.clear_ibuf [dreg:s8], $0x6FFFF;
	_ =	strace $0x90000046  }
0xb4: {  	s29 =	simm.s32 $0x9;
	_ =	strace $0x80000048  }
0xb5: {  	_ =	swait.ge [sflag:s29], $0x1  }
0xb6: {  	[sflag:s29] =	ssyncadd.s32 $0xFFFFFFFF  }
0xb7: {  	_ =	strace $0x90000048  }
0xb8: {  	_ =	sfence  }
0xb9: {  	s30 =	sld [smem:$0x0];
	_ =	sdelay $0x2  }
0xba: {  	s31 =	sshll.u32 s1, $0xD;
	s1 =	sshrl.u32 s1, $0x2  }
0xbb: {  	s3 =	sand.u32 $0x4000, s31;
	s1 =	sadd.s32 s1, s30  }
0xbc: {  	s0 =	sor.u32 s3, s0;
	s1 =	sshll.u32 s1, $0x11  }
0xbd: {  	s0 =	sor.u32 s1, s0  }
0xbe: {  	s0 =	sadd.s32 $0x8F2B, s0  }
0xbf: {  	[sflag:s0] =	ssyncadd.remote.s32 $0x1  }
0xc0: {  	_ =	sfence.sel $0xFFFF  }
0xc1: {  	[dreg:$0x0] =	wrdreg $0xFFFFFFFF;
	(pc) =	sbr.abs _section_cstart, $3  }
0xc2: {  	[dreg:$0x1] =	wrdreg $0xFFFFFFFF  }
0xc3: {  	_ =	task.clear_ibuf [dreg:s8], $0x2FFFF;
	_ =	strace $0x9FFFFFFF  }
0xc4: {  	(tm) =	ssettm $0x7FFFFFFF  }
0xc5: {  	_ =	shalt  }
tec
execute0_lowered:
.L_overlay_start_1:
0x0: {  	(tag) =	ssettag $0x1  }
0x1: {  	s0 =	rddreg [dreg:$0x0]  }
0x2: {  	s1 =	rddreg [dreg:$0x1]  }
0x3: {  	s2 =	rddreg [dreg:$0x2]  }
0x4: {  	s4 =	srdreg.scid;
	s21 =	stileid.u32;
	s3 =	simm.s32 $0x0  }
0x5: {  	s28 =	simm.s32 $0xB;
	s29 =	simm.s32 $0xC;
	s24 =	smul.u32 $0x4E000, s21  }
0x6: {  	s30 =	simm.s32 $0x9;
	s31 =	simm.s32 $0x0;
	s7 =	smul.u32 $0x2710, s21  }
0x7: {  	s13 =	sand.u32 $0x1, s4;
	[smem:$0x7FF] =	sst s3;
	s19 =	smul.u32 $0x2700, s21  }
0x8: {  	p0 =	sne.s32 s21, $0xF;
	s21 =	simm.s32 $0xD;
	s16 =	smul.u32 $0x27100, s13  }
0x9: {  	s5 =	ssub.s32 $0x2, s13;
	_ =	strace $0x80000047;
	s20 =	smul.u32 $0x138800, s13  }
0xa: {  	s13 =	sadd.s32 $0x138000, s2;
	s6 =	sshrl.u32 s5, $0x1;
	s4 =	sshrl.u32 s24, $0x2  }
0xb: {  	s18 =	ssub.s32 s5, s6;
	s4 =	sadd.s32 s4, s2;
	s17 =	sadd.s32 s7, s16  }
0xc: {  	s16 =	sadd.s32 s19, s16;
	s25 =	sshrl.u32 s20, $0x3;
	s20 =	simm.s32 $0x2800  }
0xd: {  	s5 =	sadd.s32 $0x2800, s4;
	s6 =	sadd.s32 $0x5000, s4;
	s7 =	sadd.s32 $0x7800, s4  }
0xe: {  	s8 =	sadd.s32 $0xA000, s4;
	s9 =	sadd.s32 $0xC800, s4;
	s10 =	sadd.s32 $0xF000, s4  }
.Ltmp0:
0xf: {  	s12 =	sshrl.u32 s17, $0x3;
	s11 =	sadd.s32 $0x11800, s4;
	(pc) =	sbr.rel .LBB2_1-.Ltmp0, $4  }
0x10: {  	s17 =	sadd.s32 $0xF0, s17;
	s16 =	sadd.s32 s1, s16;
	s1 =	sadd.s32 s1, s25  }
0x11: {  	s18 =	smax.u32 s18, $0x1;
	s25 =	simm.s32 $0x50;
	s12 =	sadd.s32 s0, s12  }
0x12: {  	s26 =	sshrl.u32 s17, $0x3;
	s17 =	sadd.s32 $0x27000, s1;
	s14 =	sadd.s32 $0xA, s12  }
0x13: {  	v0 =	vimm.f32 $1.000000000e+00;
	v1 =	vimm.f32 $0.0e+00;
	s15 =	sadd.s32 $0x14, s12;
	s22 =	sadd.s32 s26, s0;
	s26 =	simm.s32 $0xA  }
.LBB2_11:
0x14: {  	_ =	swait.ge [sflag:s26], $0x2800  }
0x15: {  	[sflag:s26] =	ssyncset.done $0x0  }
0x16: {  	[sflag:s26] =	ssyncadd.s32 $0xFFFFD800  }
0x17: {  	_ =	swait.ge [sflag:s28], $0x2800  }
0x18: {  	[sflag:s28] =	ssyncset.done $0x0  }
0x19: {  	[sflag:s28] =	ssyncadd.s32 $0xFFFFD800  }
0x1a: {  	_ =	swait.ge [sflag:s29], $0x2800  }
0x1b: {  	[sflag:s29] =	ssyncset.done $0x0  }
0x1c: {  	[sflag:s29] =	ssyncadd.s32 $0xFFFFD800  }
0x1d: {  	_ =	swait.ge [sflag:s30], $0x2800  }
0x1e: {  	s0 =	stileid.u32;
	[sflag:s30] =	ssyncset.done $0x0  }
0x1f: {  	s0 =	sshll.u32 s0, $0x6;
	[sflag:s30] =	ssyncadd.s32 $0xFFFFD800  }
0x20: {  	s1 =	sshrl.u32 s4, $0x3;
	s0 =	sor.u32 $0x1C0D, s0;
	[bflag:$0x0] =	sbarrier.arrive $0xFFFF  }
0x21: {  	[hbm:s16], [sflag:s0] =	dma.local [spmem:s1], $0x2700  }
0x22: {  	_ =	swait.ge [sflag:s21], $0x2700  }
0x23: {  	s31 =	sadd.s32 $0x1, s31;
	[sflag:s21] =	ssyncset.done $0x0  }
0x24: {  	p1 =	sne.s32 s31, s18;
	s1 =	sshrl.u32 @!p0 s13, $0x3;
	[sflag:s21] =	ssyncadd.s32 $0xFFFFD900  }
0x25: {  	[hbm:s17], [sflag:s0] =	dma.local @!p0 [spmem:s1], $0x100  }
.Ltmp1:
0x26: {  	_ = 	snop;
	(pc) =	sbr.rel @!p1 .LBB2_12-.Ltmp1, $4  }
0x27: {  	s0 =	simm.s32 @!p0 $0xD  }
0x28: {  	_ =	swait.ge @!p0 [sflag:s0], $0x100  }
0x29: {  	[sflag:s0] =	ssyncset.done @!p0 $0x0  }
0x2a: {  	[sflag:s0] =	ssyncadd.s32 @!p0 $0xFFFFFF00  }
.LBB2_1:
0x2b: {  	s0 =	simm.s32 $0x0;
	s1 =	simm.s32 $0x200  }
.LBB2_2:
0x2c: {  	p1 =	sne.s32 s1, $0x9E00;
	[tilespmem:s0+$0x70] =	vst v0  }
0x2d: {  	[tilespmem:s0+$0x0] =	vst v0  }
0x2e: {  	[tilespmem:s0+$0x10] =	vst v0  }
.Ltmp2:
0x2f: {  	[tilespmem:s0+$0x20] =	vst v0;
	(pc) =	sbr.rel @p1 .LBB2_2-.Ltmp2, $4  }
0x30: {  	[tilespmem:s0+$0x30] =	vst v0  }
0x31: {  	[tilespmem:s0+$0x40] =	vst v0  }
0x32: {  	[tilespmem:s0+$0x50] =	vst v0  }
0x33: {  	[tilespmem:s0+$0x60] =	vst v0;
	s0 =	sshra.s32 s1, $0x2;
	s1 =	sadd.s32 $0x200, s1  }
0x34: {  	[tilespmem:s0+$0x70] =	vst v0  }
0x35: {  	[tilespmem:s0+$0x0] =	vst v0  }
0x36: {  	[tilespmem:s0+$0x10] =	vst v0  }
0x37: {  	[tilespmem:s0+$0x20] =	vst v0  }
0x38: {  	[tilespmem:s0+$0x30] =	vst v0  }
0x39: {  	[tilespmem:s0+$0x40] =	vst v0  }
0x3a: {  	[tilespmem:s0+$0x50] =	vst v0  }
0x3b: {  	[tilespmem:s0+$0x60] =	vst v0;
	s0 =	simm.s32 $0x0;
	s1 =	simm.s32 $0x200  }
.LBB2_4:
0x3c: {  	p1 =	sne.s32 s1, $0x9E00;
	[tilespmem:s0+$0x2870] =	vst v1  }
0x3d: {  	[tilespmem:s0+$0x2800] =	vst v1  }
0x3e: {  	[tilespmem:s0+$0x2810] =	vst v1  }
.Ltmp3:
0x3f: {  	[tilespmem:s0+$0x2820] =	vst v1;
	(pc) =	sbr.rel @p1 .LBB2_4-.Ltmp3, $4  }
0x40: {  	[tilespmem:s0+$0x2830] =	vst v1  }
0x41: {  	[tilespmem:s0+$0x2840] =	vst v1  }
0x42: {  	[tilespmem:s0+$0x2850] =	vst v1  }
0x43: {  	[tilespmem:s0+$0x2860] =	vst v1;
	s0 =	sshra.s32 s1, $0x2;
	s1 =	sadd.s32 $0x200, s1  }
0x44: {  	[tilespmem:s0+$0x2870] =	vst v1  }
0x45: {  	[tilespmem:s0+$0x2800] =	vst v1  }
0x46: {  	[tilespmem:s0+$0x2810] =	vst v1  }
0x47: {  	[tilespmem:s0+$0x2820] =	vst v1  }
0x48: {  	[tilespmem:s0+$0x2830] =	vst v1  }
0x49: {  	[tilespmem:s0+$0x2840] =	vst v1  }
0x4a: {  	[tilespmem:s0+$0x2850] =	vst v1  }
0x4b: {  	[tilespmem:s0+$0x2860] =	vst v1  }
0x4c: {  	[spmem:s4] =	stream.linear.scatter [tilespmem:s20], [sflag:$0xD], $0x2800, $0x38;
	[tilespmem:$0x18B00] =	vst v63  }
0x4d: {  	_ =	swait.ge [sflag:s21], $0x2800  }
0x4e: {  	[sflag:s21] =	ssyncset.done $0x0  }
0x4f: {  	[sflag:s21] =	ssyncadd.s32 $0xFFFFD800  }
0x50: {  	[spmem:s5] =	stream.linear.scatter [tilespmem:s20], [sflag:$0xD], $0x2800, $0x38;
	[tilespmem:$0x18B00] =	vst v63  }
0x51: {  	_ =	swait.ge [sflag:s21], $0x2800  }
0x52: {  	[sflag:s21] =	ssyncset.done $0x0  }
0x53: {  	[sflag:s21] =	ssyncadd.s32 $0xFFFFD800  }
0x54: {  	[spmem:s6] =	stream.linear.scatter [tilespmem:s20], [sflag:$0xD], $0x2800, $0x38;
	[tilespmem:$0x18B00] =	vst v63  }
0x55: {  	_ =	swait.ge [sflag:s21], $0x2800  }
0x56: {  	[sflag:s21] =	ssyncset.done $0x0  }
0x57: {  	[sflag:s21] =	ssyncadd.s32 $0xFFFFD800  }
0x58: {  	[spmem:s7] =	stream.linear.scatter [tilespmem:s20], [sflag:$0xD], $0x2800, $0x38;
	[tilespmem:$0x18B00] =	vst v63  }
0x59: {  	_ =	swait.ge [sflag:s21], $0x2800  }
0x5a: {  	[sflag:s21] =	ssyncset.done $0x0  }
0x5b: {  	[sflag:s21] =	ssyncadd.s32 $0xFFFFD800  }
0x5c: {  	[spmem:s8] =	stream.linear.scatter [tilespmem:s20], [sflag:$0xD], $0x2800, $0x38;
	[tilespmem:$0x18B00] =	vst v63  }
0x5d: {  	_ =	swait.ge [sflag:s21], $0x2800  }
0x5e: {  	[sflag:s21] =	ssyncset.done $0x0  }
0x5f: {  	[sflag:s21] =	ssyncadd.s32 $0xFFFFD800  }
0x60: {  	[spmem:s9] =	stream.linear.scatter [tilespmem:s20], [sflag:$0xD], $0x2800, $0x38;
	[tilespmem:$0x18B00] =	vst v63  }
0x61: {  	_ =	swait.ge [sflag:s21], $0x2800  }
0x62: {  	[sflag:s21] =	ssyncset.done $0x0  }
0x63: {  	[sflag:s21] =	ssyncadd.s32 $0xFFFFD800  }
0x64: {  	[spmem:s10] =	stream.linear.scatter [tilespmem:s20], [sflag:$0xD], $0x2800, $0x38;
	[tilespmem:$0x18B00] =	vst v63  }
0x65: {  	_ =	swait.ge [sflag:s21], $0x2800  }
0x66: {  	[sflag:s21] =	ssyncset.done $0x0  }
0x67: {  	[sflag:s21] =	ssyncadd.s32 $0xFFFFD800  }
0x68: {  	[spmem:s11] =	stream.linear.scatter [tilespmem:s20], [sflag:$0xD], $0x2000, $0x38;
	[tilespmem:$0x18B00] =	vst v63  }
0x69: {  	_ =	swait.ge [sflag:s21], $0x2000  }
0x6a: {  	[sflag:s21] =	ssyncset.done $0x0  }
0x6b: {  	s0 =	simm.s32 @!p0 $0x2800;
	[sflag:s21] =	ssyncadd.s32 $0xFFFFE000  }
0x6c: {  	[spmem:s13] =	stream.linear.scatter @!p0 [tilespmem:s0], [sflag:$0xD], $0x800, $0x38;
	[tilespmem:$0x18B00] =	vst v63  }
0x6d: {  	s0 =	simm.s32 @!p0 $0xD  }
0x6e: {  	_ =	swait.ge @!p0 [sflag:s0], $0x800  }
0x6f: {  	[sflag:s0] =	ssyncset.done @!p0 $0x0  }
0x70: {  	[sflag:s0] =	ssyncadd.s32 @!p0 $0xFFFFF800  }
0x71: {  	s1 =	simm.s32 $0x5000;
	s0 =	simm.s32 $0x0;
	[bflag:$0x0] =	sbarrier.arrive $0xFFFF  }
0x72: {  	[tilespmem:s1], [sflag:$0x1] =	stream.linear.gather [hbm4b:s12+s0], $0x50, $0x38;
	[tilespmem:$0x18B00] =	vst v63  }
.Ltmp4:
0x73: {  	_ = 	snop;
	(pc) =	sbr.rel .LBB2_6-.Ltmp4, $4  }
0x74: {  	s23 =	simm.s32 $0x5050  }
0x75: {  	[tilespmem:s23], [sflag:$0x2] =	stream.linear.gather [hbm4b:s14+s0], $0x50, $0x38;
	[tilespmem:$0x18B00] =	vst v63  }
0x76: {  	s24 =	simm.s32 $0x50A0;
	s19 =	smov.u32 s22;
	s1 =	simm.s32 $0x9  }
0x77: {  	[tilespmem:s24], [sflag:$0x3] =	stream.linear.gather [hbm4b:s15+s0], $0x50, $0x38;
	[tilespmem:$0x18B00] =	vst v63  }
.LBB2_7:
0x78: {  	[spmem:s2] =	stream.indirect.scatter.add.f32 [tilespmem:s3], [sflag:s1], $0x80, s23, s25, $0xb8;
	[tilespmem:$0x18B00] =	vst v63  }
.LBB2_9:
0x79: {  	s23 =	sadd.s32 $0x3, s0  }
0x7a: {  	s23 =	sand.u32 $0x7, s23  }
0x7b: {  	s24 =	smul.u32 $0x140, s23;
	_ =	sdelay $0x1  }
0x7c: {  	s24 =	sshrl.u32 s24, $0x2  }
0x7d: {  	s23 =	sadd.s32 $0x1, s23;
	s24 =	sor.u32 $0x5000, s24  }
0x7e: {  	[tilespmem:s24], [sflag:s23] =	stream.linear.gather [hbm4b:s19+s3], $0x50, $0x38;
	[tilespmem:$0x18B00] =	vst v63  }
.LBB2_10:
0x7f: {  	s0 =	sadd.s32 $0x1, s0  }
0x80: {  	p1 =	sne.s32 s0, $0x7D  }
.Ltmp5:
0x81: {  	_ = 	snop;
	(pc) =	sbr.rel @!p1 .LBB2_11-.Ltmp5, $2  }
0x82: {  	_ =	sdelay $0x2  }
0x83: {  	s1 =	sadd.s32 $0x1, s1;
	s19 =	sadd.s32 $0xA, s19  }
.LBB2_6:
0x84: {  	p1 =	sgt.u32 s0, $0x3  }
.Ltmp6:
0x85: {  	s23 =	sand.u32 $0x7, s0;
	(pc) =	sbr.rel @!p1 .LBB2_7-.Ltmp6, $4  }
0x86: {  	s24 =	sadd.s32 $0x1, s23;
	s23 =	smul.u32 $0x140, s23  }
0x87: {  	_ =	swait.ge [sflag:s24], $0x50  }
0x88: {  	s23 =	sshrl.u32 s23, $0x2;
	[sflag:s24] =	ssyncset.done $0x0  }
0x89: {  	s23 =	sor.u32 $0x5000, s23;
	[sflag:s24] =	ssyncadd.s32 $0xFFFFFFB0  }
0x8a: {  	s24 =	sand.u32 $0x3, s0;
	p1 =	sgt.u32 s0, $0x79  }
.Ltmp7:
0x8b: {  	s24 =	sadd.s32 $0x9, s24;
	(pc) =	sbr.rel @p1 .LBB2_10-.Ltmp7, $4  }
.Ltmp8:
0x8c: {  	_ =	swait.ge [sflag:s24], $0x2800;
	(pc) =	sbr.rel @!p1 .LBB2_9-.Ltmp8, $4  }
0x8d: {  	[sflag:s24] =	ssyncset.done $0x0  }
0x8e: {  	[sflag:s24] =	ssyncadd.s32 $0xFFFFD800  }
0x8f: {  	[spmem:s2] =	stream.indirect.scatter.add.f32 [tilespmem:s3], [sflag:s24], $0x80, s23, s25, $0xb8;
	[tilespmem:$0x18B00] =	vst v63  }
0x90: {  	_ = 	snop  }
.LBB2_12:
0x91: {  	_ =	sfence.sel $0x180000  }
0x92: {  	[bflag:$0x0] =	sbarrier.arrive $0xFFFF  }
0x93: {  	_ =	strace $0x90000047  }
0x94: {  	s0 =	stileid.u32;
	[bflag:$0x2] =	sbarrier.arrive $0xFFFF  }
0x95: {  	p0 =	sne.s32 s0, $0x0;
	s0 =	rddreg [dreg:$0x3]  }
0x96: {  	s0 =	sadd.s32 @!p0 $0x100000, s0  }
0x97: {  	[sflag:s0] =	ssyncadd.tile.s32 @!p0 $0x1;
	_ =	shalt  }
.Lfunc_end2:
_tile_overlayer_lowered:
.L_overlay_start_2:
0x98: {  	(tag) =	ssettag $0x2  }
0x99: {  	s0 =	rddreg [dreg:$0x0];
	s2 =	stileid.u32  }
0x9a: {  	s1 =	rddreg [dreg:$0x1];
	p0 =	sne.s32 s2, $0x0  }
0x9b: {  	s3 =	rddreg [dreg:$0x2];
	[bflag:$0x3] =	sbarrier.arrive $0xFFFF;
	s2 =	simm.s32 @!p0 $0x1C0D  }
0x9c: {  	[timem:s3], [sflag:s2] =	dma.local @!p0 [hbm:s0], s1  }
0x9d: {  	s0 =	simm.s32 @!p0 $0xD  }
0x9e: {  	_ =	swait.ge @!p0 [sflag:s0], s1  }
0x9f: {  	s1 =	ssub.s32 @!p0 $0x0, s1;
	[sflag:s0] =	ssyncset.done @!p0 $0x0  }
0xa0: {  	[sflag:s0] =	ssyncadd.s32 @!p0 s1  }
0xa1: {  	[bflag:$0x3] =	sbarrier.arrive $0xFFFF  }
0xa2: {  	_ =	shalt  }

</sc_bundles>
